<compile_context>
chip_gen: v7x
topology: tpu7x:2x2x1
jax: 0.10.2.dev20260603
libtpu: 0.0.44.dev20260713+nightly
codegen_flags: <defaults>
</compile_context>

<pallas_src>
import functools

import jax
import jax.numpy as jnp
from jax import lax
from jax.experimental import pallas as pl
from jax.experimental.pallas import tpu as pltpu
from jax.experimental.pallas import tpu_sc as plsc

SR = 8
CH = 128


def _tsf_sc(xf, off2d, *, n_batch, seq_len, d):
    g = seq_len // SR
    nch = g // CH
    mesh = plsc.VectorSubcoreMesh(core_axis_name="c", subcore_axis_name="s")
    nc = 2
    nw = 32
    assert n_batch == nw and g % CH == 0

    nbuf = nch - 1

    @functools.partial(
        pl.kernel,
        mesh=mesh,
        out_type=jax.ShapeDtypeStruct((n_batch * g, d), jnp.float32),
        scratch_types=[
            pltpu.VMEM((nch, CH), jnp.int32),
            pltpu.VMEM((nch, CH), jnp.int32),
        ]
        + [pltpu.VMEM((CH, d), jnp.float32) for _ in range(nbuf)]
        + [
            pltpu.SemaphoreType.DMA,
            pltpu.SemaphoreType.DMA,
        ],
    )
    def tsf_kernel(x_hbm, off_hbm, out_hbm, idx_v, off_v, *rest):
        bufs = rest[:nbuf]
        sem_g, sem_o = rest[nbuf], rest[nbuf + 1]
        wid = lax.axis_index("s") * nc + lax.axis_index("c")
        base = wid * seq_len

        pltpu.sync_copy(off_hbm, off_v)
        lane = lax.iota(jnp.int32, 16) * SR

        def fill_idx(c):
            for j in range(CH // 16):
                g0 = c * CH + j * 16
                vals = off_v[c, pl.ds(j * 16, 16)] + (lane + (g0 * SR + base))
                idx_v[c, pl.ds(j * 16, 16)] = vals

        def gather(c, buf):
            return pltpu.async_copy(x_hbm.at[idx_v.at[c]], buf, sem_g)

        gcp = []
        for c in range(nbuf):
            fill_idx(c)
            gcp.append(gather(c, bufs[c]))
        fill_idx(nch - 1)

        ocp = []
        for c in range(nch):
            gcp[c].wait()
            ocp.append(pltpu.async_copy(
                bufs[c % nbuf], out_hbm.at[pl.ds(wid * g + c * CH, CH)], sem_o))
            if c == 0:
                ocp[0].wait()
                gcp.append(gather(nch - 1, bufs[0]))
        for c in range(1, nch):
            ocp[c].wait()

    return tsf_kernel(xf, off2d)


def kernel(x):
    n_batch, s, d = x.shape
    seq_len = s - s % SR
    g = seq_len // SR
    k = jax.random.key(42)
    offsets = jax.random.randint(k, (g,), 0, SR)
    off2d = offsets.astype(jnp.int32).reshape(g // CH, CH)
    xf = x.reshape(n_batch * s, d)
    out = _tsf_sc(xf, off2d, n_batch=n_batch, seq_len=seq_len, d=d)
    return out.reshape(n_batch, g, d)

# --- scband reference (transcript-rebuilt; emitter-appended) ---
"""Pipeline reference for scband-tsf-8366596292796 (READ-ONLY COPY).

The authoritative reference and input builder live on the scoring server;
editing this copy changes nothing except your own understanding.
"""

import jax, jax.numpy as jnp
import numpy as np

SR = 8

def setup_inputs(seed: int = 0) -> dict:
    key = jax.random.key(seed)
    x = jax.random.normal(key, (32, 8192, 128), dtype=jnp.float32)
    return {"x": x}

def reference(x):
    sr = SR
    seq_len = x.shape[1] - x.shape[1] % sr
    k = jax.random.key(42)
    offsets = jax.random.randint(k, (seq_len // sr,), 0, sr)
    indices = offsets + jnp.arange(0, seq_len, sr)
    # temporal sub-sampling: pick one random frame per group of sr frames
    return jnp.take(x, indices, axis=1)

if __name__ == "__main__":
    import jax
    _d = setup_inputs()
    print(jax.jit(kernel)(*tuple(_d.values())))

</pallas_src>

<mosaic_0001>
#map = affine_map<(d0, d1) -> (0, 0)>
module attributes {stable_mosaic.version = 14 : i64} {
  func.func @tsf_kernel(%arg0: i32, %arg1: i32, %arg2: memref<262144x128xf32, #tpu.memory_space<hbm>>, %arg3: memref<8x128xi32, #tpu.memory_space<hbm>>, %arg4: memref<32768x128xf32, #tpu.memory_space<hbm>>, %arg5: memref<8x128xi32, #tpu.memory_space<vmem>>, %arg6: memref<8x128xi32, #tpu.memory_space<vmem>>, %arg7: memref<128x128xf32, #tpu.memory_space<vmem>>, %arg8: memref<128x128xf32, #tpu.memory_space<vmem>>, %arg9: memref<128x128xf32, #tpu.memory_space<vmem>>, %arg10: memref<128x128xf32, #tpu.memory_space<vmem>>, %arg11: memref<128x128xf32, #tpu.memory_space<vmem>>, %arg12: memref<128x128xf32, #tpu.memory_space<vmem>>, %arg13: memref<128x128xf32, #tpu.memory_space<vmem>>, %arg14: memref<!tpu.dma_semaphore, #tpu.memory_space<semaphore_mem>>, %arg15: memref<!tpu.dma_semaphore, #tpu.memory_space<semaphore_mem>>) attributes {dimension_semantics = [#tpu.dimension_semantics<core_parallel>, #tpu.dimension_semantics<subcore_parallel>], iteration_bounds = array<i64: 2, 16>, scalar_prefetch = 0 : i64, scratch_operands = 11 : i64, tpu.core_type = #tpu.core_type<sc_vector_subcore>, window_params = [{transform_indices = #map}, {transform_indices = #map}, {transform_indices = #map}]} {
    %mul3A = arith.constant 2 : i32
    %mul3A_0 = arith.muli %arg1, %mul3A : i32
    %add3A = arith.addi %mul3A_0, %arg0 : i32
    %mul3A_1 = arith.constant 8192 : i32
    %mul3A_2 = arith.muli %add3A, %mul3A_1 : i32
    "tpu.region"() ({
      %run_scoped3A = tpu.sem_alloc : memref<!tpu.dma_semaphore, #tpu.memory_space<semaphore_mem>>
      tpu.enqueue_dma source(%arg3 : memref<8x128xi32, #tpu.memory_space<hbm>>) target(%arg6 : memref<8x128xi32, #tpu.memory_space<vmem>>) target_semaphore(%run_scoped3A : memref<!tpu.dma_semaphore, #tpu.memory_space<semaphore_mem>>)
      tpu.wait_dma2 semaphore(%run_scoped3A : memref<!tpu.dma_semaphore, #tpu.memory_space<semaphore_mem>>) src(%arg3 : memref<8x128xi32, #tpu.memory_space<hbm>>) dst(%arg6 : memref<8x128xi32, #tpu.memory_space<vmem>>)
      tpu.yield
    }) : () -> ()
    %iota3A = tpu.iota {dimensions = array<i32: 0>} : vector<16xi32>
    %mul3A_3 = arith.constant 8 : i32
    %mul3A_4 = vector.broadcast %mul3A_3 : i32 to vector<16xi32>
    %mul3A_5 = arith.muli %iota3A, %mul3A_4 : vector<16xi32>
    %get3A = arith.constant 0 : i32
    %get3A_6 = arith.index_cast %get3A : i32 to index
    %get3A_7 = arith.constant 0 : index
    %get3A_8 = tpu.vector_load %arg6[%get3A_6, %get3A_7] {strides = array<i32>} : memref<8x128xi32, #tpu.memory_space<vmem>>, vector<1x16xi32>,
    %get3A_9 = vector.shape_cast %get3A_8 : vector<1x16xi32> to vector<16xi32>
    %add3A_10 = arith.constant 0 : i32
    %add3A_11 = arith.addi %add3A_10, %mul3A_2 : i32
    %add3A_12 = vector.broadcast %add3A_11 : i32 to vector<16xi32>
    %add3A_13 = arith.addi %mul3A_5, %add3A_12 : vector<16xi32>
    %add3A_14 = arith.addi %get3A_9, %add3A_13 : vector<16xi32>
    %swap3A = arith.constant 0 : i32
    %swap3A_15 = arith.index_cast %swap3A : i32 to index
    %swap3A_16 = arith.constant 0 : index
    %swap3A_17 = tpu.vector_load %arg5[%swap3A_15, %swap3A_16] {strides = array<i32>} : memref<8x128xi32, #tpu.memory_space<vmem>>, vector<1x16xi32>,
    %swap3A_18 = vector.shape_cast %swap3A_17 : vector<1x16xi32> to vector<16xi32>
    %swap3A_19 = vector.shape_cast %add3A_14 : vector<16xi32> to vector<1x16xi32>
    tpu.vector_store %arg5[%swap3A_15, %swap3A_16], %swap3A_19 {strides = array<i32>} : memref<8x128xi32, #tpu.memory_space<vmem>>, vector<1x16xi32>,
    %get3A_20 = arith.constant 0 : i32
    %get3A_21 = arith.index_cast %get3A_20 : i32 to index
    %get3A_22 = arith.constant 16 : index
    %get3A_23 = tpu.vector_load %arg6[%get3A_21, %get3A_22] {strides = array<i32>} : memref<8x128xi32, #tpu.memory_space<vmem>>, vector<1x16xi32>,
    %get3A_24 = vector.shape_cast %get3A_23 : vector<1x16xi32> to vector<16xi32>
    %add3A_25 = arith.constant 128 : i32
    %add3A_26 = arith.addi %add3A_25, %mul3A_2 : i32
    %add3A_27 = vector.broadcast %add3A_26 : i32 to vector<16xi32>
    %add3A_28 = arith.addi %mul3A_5, %add3A_27 : vector<16xi32>
    %add3A_29 = arith.addi %get3A_24, %add3A_28 : vector<16xi32>
    %swap3A_30 = arith.constant 0 : i32
    %swap3A_31 = arith.index_cast %swap3A_30 : i32 to index
    %swap3A_32 = arith.constant 16 : index
    %swap3A_33 = tpu.vector_load %arg5[%swap3A_31, %swap3A_32] {strides = array<i32>} : memref<8x128xi32, #tpu.memory_space<vmem>>, vector<1x16xi32>,
    %swap3A_34 = vector.shape_cast %swap3A_33 : vector<1x16xi32> to vector<16xi32>
    %swap3A_35 = vector.shape_cast %add3A_29 : vector<16xi32> to vector<1x16xi32>
    tpu.vector_store %arg5[%swap3A_31, %swap3A_32], %swap3A_35 {strides = array<i32>} : memref<8x128xi32, #tpu.memory_space<vmem>>, vector<1x16xi32>,
    %get3A_36 = arith.constant 0 : i32
    %get3A_37 = arith.index_cast %get3A_36 : i32 to index
    %get3A_38 = arith.constant 32 : index
    %get3A_39 = tpu.vector_load %arg6[%get3A_37, %get3A_38] {strides = array<i32>} : memref<8x128xi32, #tpu.memory_space<vmem>>, vector<1x16xi32>,
    %get3A_40 = vector.shape_cast %get3A_39 : vector<1x16xi32> to vector<16xi32>
    %add3A_41 = arith.constant 256 : i32
    %add3A_42 = arith.addi %add3A_41, %mul3A_2 : i32
    %add3A_43 = vector.broadcast %add3A_42 : i32 to vector<16xi32>
    %add3A_44 = arith.addi %mul3A_5, %add3A_43 : vector<16xi32>
    %add3A_45 = arith.addi %get3A_40, %add3A_44 : vector<16xi32>
    %swap3A_46 = arith.constant 0 : i32
    %swap3A_47 = arith.index_cast %swap3A_46 : i32 to index
    %swap3A_48 = arith.constant 32 : index
    %swap3A_49 = tpu.vector_load %arg5[%swap3A_47, %swap3A_48] {strides = array<i32>} : memref<8x128xi32, #tpu.memory_space<vmem>>, vector<1x16xi32>,
    %swap3A_50 = vector.shape_cast %swap3A_49 : vector<1x16xi32> to vector<16xi32>
    %swap3A_51 = vector.shape_cast %add3A_45 : vector<16xi32> to vector<1x16xi32>
    tpu.vector_store %arg5[%swap3A_47, %swap3A_48], %swap3A_51 {strides = array<i32>} : memref<8x128xi32, #tpu.memory_space<vmem>>, vector<1x16xi32>,
    %get3A_52 = arith.constant 0 : i32
    %get3A_53 = arith.index_cast %get3A_52 : i32 to index
    %get3A_54 = arith.constant 48 : index
    %get3A_55 = tpu.vector_load %arg6[%get3A_53, %get3A_54] {strides = array<i32>} : memref<8x128xi32, #tpu.memory_space<vmem>>, vector<1x16xi32>,
    %get3A_56 = vector.shape_cast %get3A_55 : vector<1x16xi32> to vector<16xi32>
    %add3A_57 = arith.constant 384 : i32
    %add3A_58 = arith.addi %add3A_57, %mul3A_2 : i32
    %add3A_59 = vector.broadcast %add3A_58 : i32 to vector<16xi32>
    %add3A_60 = arith.addi %mul3A_5, %add3A_59 : vector<16xi32>
    %add3A_61 = arith.addi %get3A_56, %add3A_60 : vector<16xi32>
    %swap3A_62 = arith.constant 0 : i32
    %swap3A_63 = arith.index_cast %swap3A_62 : i32 to index
    %swap3A_64 = arith.constant 48 : index
    %swap3A_65 = tpu.vector_load %arg5[%swap3A_63, %swap3A_64] {strides = array<i32>} : memref<8x128xi32, #tpu.memory_space<vmem>>, vector<1x16xi32>,
    %swap3A_66 = vector.shape_cast %swap3A_65 : vector<1x16xi32> to vector<16xi32>
    %swap3A_67 = vector.shape_cast %add3A_61 : vector<16xi32> to vector<1x16xi32>
    tpu.vector_store %arg5[%swap3A_63, %swap3A_64], %swap3A_67 {strides = array<i32>} : memref<8x128xi32, #tpu.memory_space<vmem>>, vector<1x16xi32>,
    %get3A_68 = arith.constant 0 : i32
    %get3A_69 = arith.index_cast %get3A_68 : i32 to index
    %get3A_70 = arith.constant 64 : index
    %get3A_71 = tpu.vector_load %arg6[%get3A_69, %get3A_70] {strides = array<i32>} : memref<8x128xi32, #tpu.memory_space<vmem>>, vector<1x16xi32>,
    %get3A_72 = vector.shape_cast %get3A_71 : vector<1x16xi32> to vector<16xi32>
    %add3A_73 = arith.constant 512 : i32
    %add3A_74 = arith.addi %add3A_73, %mul3A_2 : i32
    %add3A_75 = vector.broadcast %add3A_74 : i32 to vector<16xi32>
    %add3A_76 = arith.addi %mul3A_5, %add3A_75 : vector<16xi32>
    %add3A_77 = arith.addi %get3A_72, %add3A_76 : vector<16xi32>
    %swap3A_78 = arith.constant 0 : i32
    %swap3A_79 = arith.index_cast %swap3A_78 : i32 to index
    %swap3A_80 = arith.constant 64 : index
    %swap3A_81 = tpu.vector_load %arg5[%swap3A_79, %swap3A_80] {strides = array<i32>} : memref<8x128xi32, #tpu.memory_space<vmem>>, vector<1x16xi32>,
    %swap3A_82 = vector.shape_cast %swap3A_81 : vector<1x16xi32> to vector<16xi32>
    %swap3A_83 = vector.shape_cast %add3A_77 : vector<16xi32> to vector<1x16xi32>
    tpu.vector_store %arg5[%swap3A_79, %swap3A_80], %swap3A_83 {strides = array<i32>} : memref<8x128xi32, #tpu.memory_space<vmem>>, vector<1x16xi32>,
    %get3A_84 = arith.constant 0 : i32
    %get3A_85 = arith.index_cast %get3A_84 : i32 to index
    %get3A_86 = arith.constant 80 : index
    %get3A_87 = tpu.vector_load %arg6[%get3A_85, %get3A_86] {strides = array<i32>} : memref<8x128xi32, #tpu.memory_space<vmem>>, vector<1x16xi32>,
    %get3A_88 = vector.shape_cast %get3A_87 : vector<1x16xi32> to vector<16xi32>
    %add3A_89 = arith.constant 640 : i32
    %add3A_90 = arith.addi %add3A_89, %mul3A_2 : i32
    %add3A_91 = vector.broadcast %add3A_90 : i32 to vector<16xi32>
    %add3A_92 = arith.addi %mul3A_5, %add3A_91 : vector<16xi32>
    %add3A_93 = arith.addi %get3A_88, %add3A_92 : vector<16xi32>
    %swap3A_94 = arith.constant 0 : i32
    %swap3A_95 = arith.index_cast %swap3A_94 : i32 to index
    %swap3A_96 = arith.constant 80 : index
    %swap3A_97 = tpu.vector_load %arg5[%swap3A_95, %swap3A_96] {strides = array<i32>} : memref<8x128xi32, #tpu.memory_space<vmem>>, vector<1x16xi32>,
    %swap3A_98 = vector.shape_cast %swap3A_97 : vector<1x16xi32> to vector<16xi32>
    %swap3A_99 = vector.shape_cast %add3A_93 : vector<16xi32> to vector<1x16xi32>
    tpu.vector_store %arg5[%swap3A_95, %swap3A_96], %swap3A_99 {strides = array<i32>} : memref<8x128xi32, #tpu.memory_space<vmem>>, vector<1x16xi32>,
    %get3A_100 = arith.constant 0 : i32
    %get3A_101 = arith.index_cast %get3A_100 : i32 to index
    %get3A_102 = arith.constant 96 : index
    %get3A_103 = tpu.vector_load %arg6[%get3A_101, %get3A_102] {strides = array<i32>} : memref<8x128xi32, #tpu.memory_space<vmem>>, vector<1x16xi32>,
    %get3A_104 = vector.shape_cast %get3A_103 : vector<1x16xi32> to vector<16xi32>
    %add3A_105 = arith.constant 768 : i32
    %add3A_106 = arith.addi %add3A_105, %mul3A_2 : i32
    %add3A_107 = vector.broadcast %add3A_106 : i32 to vector<16xi32>
    %add3A_108 = arith.addi %mul3A_5, %add3A_107 : vector<16xi32>
    %add3A_109 = arith.addi %get3A_104, %add3A_108 : vector<16xi32>
    %swap3A_110 = arith.constant 0 : i32
    %swap3A_111 = arith.index_cast %swap3A_110 : i32 to index
    %swap3A_112 = arith.constant 96 : index
    %swap3A_113 = tpu.vector_load %arg5[%swap3A_111, %swap3A_112] {strides = array<i32>} : memref<8x128xi32, #tpu.memory_space<vmem>>, vector<1x16xi32>,
    %swap3A_114 = vector.shape_cast %swap3A_113 : vector<1x16xi32> to vector<16xi32>
    %swap3A_115 = vector.shape_cast %add3A_109 : vector<16xi32> to vector<1x16xi32>
    tpu.vector_store %arg5[%swap3A_111, %swap3A_112], %swap3A_115 {strides = array<i32>} : memref<8x128xi32, #tpu.memory_space<vmem>>, vector<1x16xi32>,
    %get3A_116 = arith.constant 0 : i32
    %get3A_117 = arith.index_cast %get3A_116 : i32 to index
    %get3A_118 = arith.constant 112 : index
    %get3A_119 = tpu.vector_load %arg6[%get3A_117, %get3A_118] {strides = array<i32>} : memref<8x128xi32, #tpu.memory_space<vmem>>, vector<1x16xi32>,
    %get3A_120 = vector.shape_cast %get3A_119 : vector<1x16xi32> to vector<16xi32>
    %add3A_121 = arith.constant 896 : i32
    %add3A_122 = arith.addi %add3A_121, %mul3A_2 : i32
    %add3A_123 = vector.broadcast %add3A_122 : i32 to vector<16xi32>
    %add3A_124 = arith.addi %mul3A_5, %add3A_123 : vector<16xi32>
    %add3A_125 = arith.addi %get3A_120, %add3A_124 : vector<16xi32>
    %swap3A_126 = arith.constant 0 : i32
    %swap3A_127 = arith.index_cast %swap3A_126 : i32 to index
    %swap3A_128 = arith.constant 112 : index
    %swap3A_129 = tpu.vector_load %arg5[%swap3A_127, %swap3A_128] {strides = array<i32>} : memref<8x128xi32, #tpu.memory_space<vmem>>, vector<1x16xi32>,
    %swap3A_130 = vector.shape_cast %swap3A_129 : vector<1x16xi32> to vector<16xi32>
    %swap3A_131 = vector.shape_cast %add3A_125 : vector<16xi32> to vector<1x16xi32>
    tpu.vector_store %arg5[%swap3A_127, %swap3A_128], %swap3A_131 {strides = array<i32>} : memref<8x128xi32, #tpu.memory_space<vmem>>, vector<1x16xi32>,
    %dma_start3A = arith.constant 0 : i32
    %dma_start3A_132 = arith.constant 0 : i32
    %dma_start3A_133 = tpu.memref_slice %arg5[%dma_start3A, %dma_start3A_132] : memref<8x128xi32, #tpu.memory_space<vmem>> -> memref<1x128xi32, #tpu.memory_space<vmem>>
    %dma_start3A_134 = tpu.memref_squeeze %dma_start3A_133 : memref<1x128xi32, #tpu.memory_space<vmem>> -> memref<128xi32, #tpu.memory_space<vmem>>
    %dma_start3A_135 = arith.constant 0 : i32
    %dma_start3A_136 = arith.constant 0 : i32
    %dma_start3A_137 = tpu.memref_slice %arg2[%dma_start3A_135, %dma_start3A_136] : memref<262144x128xf32, #tpu.memory_space<hbm>> -> memref<262144x128xf32, #tpu.memory_space<hbm>>
    tpu.enqueue_indirect_dma source(%dma_start3A_137 : memref<262144x128xf32, #tpu.memory_space<hbm>>) target(%arg7 : memref<128x128xf32, #tpu.memory_space<vmem>>) offsets(%dma_start3A_134 : memref<128xi32, #tpu.memory_space<vmem>>) semaphore(%arg14 : memref<!tpu.dma_semaphore, #tpu.memory_space<semaphore_mem>>)
    %get3A_138 = arith.constant 1 : i32
    %get3A_139 = arith.index_cast %get3A_138 : i32 to index
    %get3A_140 = arith.constant 0 : index
    %get3A_141 = tpu.vector_load %arg6[%get3A_139, %get3A_140] {strides = array<i32>} : memref<8x128xi32, #tpu.memory_space<vmem>>, vector<1x16xi32>,
    %get3A_142 = vector.shape_cast %get3A_141 : vector<1x16xi32> to vector<16xi32>
    %add3A_143 = arith.constant 1024 : i32
    %add3A_144 = arith.addi %add3A_143, %mul3A_2 : i32
    %add3A_145 = vector.broadcast %add3A_144 : i32 to vector<16xi32>
    %add3A_146 = arith.addi %mul3A_5, %add3A_145 : vector<16xi32>
    %add3A_147 = arith.addi %get3A_142, %add3A_146 : vector<16xi32>
    %swap3A_148 = arith.constant 1 : i32
    %swap3A_149 = arith.index_cast %swap3A_148 : i32 to index
    %swap3A_150 = arith.constant 0 : index
    %swap3A_151 = tpu.vector_load %arg5[%swap3A_149, %swap3A_150] {strides = array<i32>} : memref<8x128xi32, #tpu.memory_space<vmem>>, vector<1x16xi32>,
    %swap3A_152 = vector.shape_cast %swap3A_151 : vector<1x16xi32> to vector<16xi32>
    %swap3A_153 = vector.shape_cast %add3A_147 : vector<16xi32> to vector<1x16xi32>
    tpu.vector_store %arg5[%swap3A_149, %swap3A_150], %swap3A_153 {strides = array<i32>} : memref<8x128xi32, #tpu.memory_space<vmem>>, vector<1x16xi32>,
    %get3A_154 = arith.constant 1 : i32
    %get3A_155 = arith.index_cast %get3A_154 : i32 to index
    %get3A_156 = arith.constant 16 : index
    %get3A_157 = tpu.vector_load %arg6[%get3A_155, %get3A_156] {strides = array<i32>} : memref<8x128xi32, #tpu.memory_space<vmem>>, vector<1x16xi32>,
    %get3A_158 = vector.shape_cast %get3A_157 : vector<1x16xi32> to vector<16xi32>
    %add3A_159 = arith.constant 1152 : i32
    %add3A_160 = arith.addi %add3A_159, %mul3A_2 : i32
    %add3A_161 = vector.broadcast %add3A_160 : i32 to vector<16xi32>
    %add3A_162 = arith.addi %mul3A_5, %add3A_161 : vector<16xi32>
    %add3A_163 = arith.addi %get3A_158, %add3A_162 : vector<16xi32>
    %swap3A_164 = arith.constant 1 : i32
    %swap3A_165 = arith.index_cast %swap3A_164 : i32 to index
    %swap3A_166 = arith.constant 16 : index
    %swap3A_167 = tpu.vector_load %arg5[%swap3A_165, %swap3A_166] {strides = array<i32>} : memref<8x128xi32, #tpu.memory_space<vmem>>, vector<1x16xi32>,
    %swap3A_168 = vector.shape_cast %swap3A_167 : vector<1x16xi32> to vector<16xi32>
    %swap3A_169 = vector.shape_cast %add3A_163 : vector<16xi32> to vector<1x16xi32>
    tpu.vector_store %arg5[%swap3A_165, %swap3A_166], %swap3A_169 {strides = array<i32>} : memref<8x128xi32, #tpu.memory_space<vmem>>, vector<1x16xi32>,
    %get3A_170 = arith.constant 1 : i32
    %get3A_171 = arith.index_cast %get3A_170 : i32 to index
    %get3A_172 = arith.constant 32 : index
    %get3A_173 = tpu.vector_load %arg6[%get3A_171, %get3A_172] {strides = array<i32>} : memref<8x128xi32, #tpu.memory_space<vmem>>, vector<1x16xi32>,
    %get3A_174 = vector.shape_cast %get3A_173 : vector<1x16xi32> to vector<16xi32>
    %add3A_175 = arith.constant 1280 : i32
    %add3A_176 = arith.addi %add3A_175, %mul3A_2 : i32
    %add3A_177 = vector.broadcast %add3A_176 : i32 to vector<16xi32>
    %add3A_178 = arith.addi %mul3A_5, %add3A_177 : vector<16xi32>
    %add3A_179 = arith.addi %get3A_174, %add3A_178 : vector<16xi32>
    %swap3A_180 = arith.constant 1 : i32
    %swap3A_181 = arith.index_cast %swap3A_180 : i32 to index
    %swap3A_182 = arith.constant 32 : index
    %swap3A_183 = tpu.vector_load %arg5[%swap3A_181, %swap3A_182] {strides = array<i32>} : memref<8x128xi32, #tpu.memory_space<vmem>>, vector<1x16xi32>,
    %swap3A_184 = vector.shape_cast %swap3A_183 : vector<1x16xi32> to vector<16xi32>
    %swap3A_185 = vector.shape_cast %add3A_179 : vector<16xi32> to vector<1x16xi32>
    tpu.vector_store %arg5[%swap3A_181, %swap3A_182], %swap3A_185 {strides = array<i32>} : memref<8x128xi32, #tpu.memory_space<vmem>>, vector<1x16xi32>,
    %get3A_186 = arith.constant 1 : i32
    %get3A_187 = arith.index_cast %get3A_186 : i32 to index
    %get3A_188 = arith.constant 48 : index
    %get3A_189 = tpu.vector_load %arg6[%get3A_187, %get3A_188] {strides = array<i32>} : memref<8x128xi32, #tpu.memory_space<vmem>>, vector<1x16xi32>,
    %get3A_190 = vector.shape_cast %get3A_189 : vector<1x16xi32> to vector<16xi32>
    %add3A_191 = arith.constant 1408 : i32
    %add3A_192 = arith.addi %add3A_191, %mul3A_2 : i32
    %add3A_193 = vector.broadcast %add3A_192 : i32 to vector<16xi32>
    %add3A_194 = arith.addi %mul3A_5, %add3A_193 : vector<16xi32>
    %add3A_195 = arith.addi %get3A_190, %add3A_194 : vector<16xi32>
    %swap3A_196 = arith.constant 1 : i32
    %swap3A_197 = arith.index_cast %swap3A_196 : i32 to index
    %swap3A_198 = arith.constant 48 : index
    %swap3A_199 = tpu.vector_load %arg5[%swap3A_197, %swap3A_198] {strides = array<i32>} : memref<8x128xi32, #tpu.memory_space<vmem>>, vector<1x16xi32>,
    %swap3A_200 = vector.shape_cast %swap3A_199 : vector<1x16xi32> to vector<16xi32>
    %swap3A_201 = vector.shape_cast %add3A_195 : vector<16xi32> to vector<1x16xi32>
    tpu.vector_store %arg5[%swap3A_197, %swap3A_198], %swap3A_201 {strides = array<i32>} : memref<8x128xi32, #tpu.memory_space<vmem>>, vector<1x16xi32>,
    %get3A_202 = arith.constant 1 : i32
    %get3A_203 = arith.index_cast %get3A_202 : i32 to index
    %get3A_204 = arith.constant 64 : index
    %get3A_205 = tpu.vector_load %arg6[%get3A_203, %get3A_204] {strides = array<i32>} : memref<8x128xi32, #tpu.memory_space<vmem>>, vector<1x16xi32>,
    %get3A_206 = vector.shape_cast %get3A_205 : vector<1x16xi32> to vector<16xi32>
    %add3A_207 = arith.constant 1536 : i32
    %add3A_208 = arith.addi %add3A_207, %mul3A_2 : i32
    %add3A_209 = vector.broadcast %add3A_208 : i32 to vector<16xi32>
    %add3A_210 = arith.addi %mul3A_5, %add3A_209 : vector<16xi32>
    %add3A_211 = arith.addi %get3A_206, %add3A_210 : vector<16xi32>
    %swap3A_212 = arith.constant 1 : i32
    %swap3A_213 = arith.index_cast %swap3A_212 : i32 to index
    %swap3A_214 = arith.constant 64 : index
    %swap3A_215 = tpu.vector_load %arg5[%swap3A_213, %swap3A_214] {strides = array<i32>} : memref<8x128xi32, #tpu.memory_space<vmem>>, vector<1x16xi32>,
    %swap3A_216 = vector.shape_cast %swap3A_215 : vector<1x16xi32> to vector<16xi32>
    %swap3A_217 = vector.shape_cast %add3A_211 : vector<16xi32> to vector<1x16xi32>
    tpu.vector_store %arg5[%swap3A_213, %swap3A_214], %swap3A_217 {strides = array<i32>} : memref<8x128xi32, #tpu.memory_space<vmem>>, vector<1x16xi32>,
    %get3A_218 = arith.constant 1 : i32
    %get3A_219 = arith.index_cast %get3A_218 : i32 to index
    %get3A_220 = arith.constant 80 : index
    %get3A_221 = tpu.vector_load %arg6[%get3A_219, %get3A_220] {strides = array<i32>} : memref<8x128xi32, #tpu.memory_space<vmem>>, vector<1x16xi32>,
    %get3A_222 = vector.shape_cast %get3A_221 : vector<1x16xi32> to vector<16xi32>
    %add3A_223 = arith.constant 1664 : i32
    %add3A_224 = arith.addi %add3A_223, %mul3A_2 : i32
    %add3A_225 = vector.broadcast %add3A_224 : i32 to vector<16xi32>
    %add3A_226 = arith.addi %mul3A_5, %add3A_225 : vector<16xi32>
    %add3A_227 = arith.addi %get3A_222, %add3A_226 : vector<16xi32>
    %swap3A_228 = arith.constant 1 : i32
    %swap3A_229 = arith.index_cast %swap3A_228 : i32 to index
    %swap3A_230 = arith.constant 80 : index
    %swap3A_231 = tpu.vector_load %arg5[%swap3A_229, %swap3A_230] {strides = array<i32>} : memref<8x128xi32, #tpu.memory_space<vmem>>, vector<1x16xi32>,
    %swap3A_232 = vector.shape_cast %swap3A_231 : vector<1x16xi32> to vector<16xi32>
    %swap3A_233 = vector.shape_cast %add3A_227 : vector<16xi32> to vector<1x16xi32>
    tpu.vector_store %arg5[%swap3A_229, %swap3A_230], %swap3A_233 {strides = array<i32>} : memref<8x128xi32, #tpu.memory_space<vmem>>, vector<1x16xi32>,
    %get3A_234 = arith.constant 1 : i32
    %get3A_235 = arith.index_cast %get3A_234 : i32 to index
    %get3A_236 = arith.constant 96 : index
    %get3A_237 = tpu.vector_load %arg6[%get3A_235, %get3A_236] {strides = array<i32>} : memref<8x128xi32, #tpu.memory_space<vmem>>, vector<1x16xi32>,
    %get3A_238 = vector.shape_cast %get3A_237 : vector<1x16xi32> to vector<16xi32>
    %add3A_239 = arith.constant 1792 : i32
    %add3A_240 = arith.addi %add3A_239, %mul3A_2 : i32
    %add3A_241 = vector.broadcast %add3A_240 : i32 to vector<16xi32>
    %add3A_242 = arith.addi %mul3A_5, %add3A_241 : vector<16xi32>
    %add3A_243 = arith.addi %get3A_238, %add3A_242 : vector<16xi32>
    %swap3A_244 = arith.constant 1 : i32
    %swap3A_245 = arith.index_cast %swap3A_244 : i32 to index
    %swap3A_246 = arith.constant 96 : index
    %swap3A_247 = tpu.vector_load %arg5[%swap3A_245, %swap3A_246] {strides = array<i32>} : memref<8x128xi32, #tpu.memory_space<vmem>>, vector<1x16xi32>,
    %swap3A_248 = vector.shape_cast %swap3A_247 : vector<1x16xi32> to vector<16xi32>
    %swap3A_249 = vector.shape_cast %add3A_243 : vector<16xi32> to vector<1x16xi32>
    tpu.vector_store %arg5[%swap3A_245, %swap3A_246], %swap3A_249 {strides = array<i32>} : memref<8x128xi32, #tpu.memory_space<vmem>>, vector<1x16xi32>,
    %get3A_250 = arith.constant 1 : i32
    %get3A_251 = arith.index_cast %get3A_250 : i32 to index
    %get3A_252 = arith.constant 112 : index
    %get3A_253 = tpu.vector_load %arg6[%get3A_251, %get3A_252] {strides = array<i32>} : memref<8x128xi32, #tpu.memory_space<vmem>>, vector<1x16xi32>,
    %get3A_254 = vector.shape_cast %get3A_253 : vector<1x16xi32> to vector<16xi32>
    %add3A_255 = arith.constant 1920 : i32
    %add3A_256 = arith.addi %add3A_255, %mul3A_2 : i32
    %add3A_257 = vector.broadcast %add3A_256 : i32 to vector<16xi32>
    %add3A_258 = arith.addi %mul3A_5, %add3A_257 : vector<16xi32>
    %add3A_259 = arith.addi %get3A_254, %add3A_258 : vector<16xi32>
    %swap3A_260 = arith.constant 1 : i32
    %swap3A_261 = arith.index_cast %swap3A_260 : i32 to index
    %swap3A_262 = arith.constant 112 : index
    %swap3A_263 = tpu.vector_load %arg5[%swap3A_261, %swap3A_262] {strides = array<i32>} : memref<8x128xi32, #tpu.memory_space<vmem>>, vector<1x16xi32>,
    %swap3A_264 = vector.shape_cast %swap3A_263 : vector<1x16xi32> to vector<16xi32>
    %swap3A_265 = vector.shape_cast %add3A_259 : vector<16xi32> to vector<1x16xi32>
    tpu.vector_store %arg5[%swap3A_261, %swap3A_262], %swap3A_265 {strides = array<i32>} : memref<8x128xi32, #tpu.memory_space<vmem>>, vector<1x16xi32>,
    %dma_start3A_266 = arith.constant 1 : i32
    %dma_start3A_267 = arith.constant 0 : i32
    %dma_start3A_268 = tpu.memref_slice %arg5[%dma_start3A_266, %dma_start3A_267] : memref<8x128xi32, #tpu.memory_space<vmem>> -> memref<1x128xi32, #tpu.memory_space<vmem>>
    %dma_start3A_269 = tpu.memref_squeeze %dma_start3A_268 : memref<1x128xi32, #tpu.memory_space<vmem>> -> memref<128xi32, #tpu.memory_space<vmem>>
    %dma_start3A_270 = arith.constant 0 : i32
    %dma_start3A_271 = arith.constant 0 : i32
    %dma_start3A_272 = tpu.memref_slice %arg2[%dma_start3A_270, %dma_start3A_271] : memref<262144x128xf32, #tpu.memory_space<hbm>> -> memref<262144x128xf32, #tpu.memory_space<hbm>>
    tpu.enqueue_indirect_dma source(%dma_start3A_272 : memref<262144x128xf32, #tpu.memory_space<hbm>>) target(%arg8 : memref<128x128xf32, #tpu.memory_space<vmem>>) offsets(%dma_start3A_269 : memref<128xi32, #tpu.memory_space<vmem>>) semaphore(%arg14 : memref<!tpu.dma_semaphore, #tpu.memory_space<semaphore_mem>>)
    %get3A_273 = arith.constant 2 : i32
    %get3A_274 = arith.index_cast %get3A_273 : i32 to index
    %get3A_275 = arith.constant 0 : index
    %get3A_276 = tpu.vector_load %arg6[%get3A_274, %get3A_275] {strides = array<i32>} : memref<8x128xi32, #tpu.memory_space<vmem>>, vector<1x16xi32>,
    %get3A_277 = vector.shape_cast %get3A_276 : vector<1x16xi32> to vector<16xi32>
    %add3A_278 = arith.constant 2048 : i32
    %add3A_279 = arith.addi %add3A_278, %mul3A_2 : i32
    %add3A_280 = vector.broadcast %add3A_279 : i32 to vector<16xi32>
    %add3A_281 = arith.addi %mul3A_5, %add3A_280 : vector<16xi32>
    %add3A_282 = arith.addi %get3A_277, %add3A_281 : vector<16xi32>
    %swap3A_283 = arith.constant 2 : i32
    %swap3A_284 = arith.index_cast %swap3A_283 : i32 to index
    %swap3A_285 = arith.constant 0 : index
    %swap3A_286 = tpu.vector_load %arg5[%swap3A_284, %swap3A_285] {strides = array<i32>} : memref<8x128xi32, #tpu.memory_space<vmem>>, vector<1x16xi32>,
    %swap3A_287 = vector.shape_cast %swap3A_286 : vector<1x16xi32> to vector<16xi32>
    %swap3A_288 = vector.shape_cast %add3A_282 : vector<16xi32> to vector<1x16xi32>
    tpu.vector_store %arg5[%swap3A_284, %swap3A_285], %swap3A_288 {strides = array<i32>} : memref<8x128xi32, #tpu.memory_space<vmem>>, vector<1x16xi32>,
    %get3A_289 = arith.constant 2 : i32
    %get3A_290 = arith.index_cast %get3A_289 : i32 to index
    %get3A_291 = arith.constant 16 : index
    %get3A_292 = tpu.vector_load %arg6[%get3A_290, %get3A_291] {strides = array<i32>} : memref<8x128xi32, #tpu.memory_space<vmem>>, vector<1x16xi32>,
    %get3A_293 = vector.shape_cast %get3A_292 : vector<1x16xi32> to vector<16xi32>
    %add3A_294 = arith.constant 2176 : i32
    %add3A_295 = arith.addi %add3A_294, %mul3A_2 : i32
    %add3A_296 = vector.broadcast %add3A_295 : i32 to vector<16xi32>
    %add3A_297 = arith.addi %mul3A_5, %add3A_296 : vector<16xi32>
    %add3A_298 = arith.addi %get3A_293, %add3A_297 : vector<16xi32>
    %swap3A_299 = arith.constant 2 : i32
    %swap3A_300 = arith.index_cast %swap3A_299 : i32 to index
    %swap3A_301 = arith.constant 16 : index
    %swap3A_302 = tpu.vector_load %arg5[%swap3A_300, %swap3A_301] {strides = array<i32>} : memref<8x128xi32, #tpu.memory_space<vmem>>, vector<1x16xi32>,
    %swap3A_303 = vector.shape_cast %swap3A_302 : vector<1x16xi32> to vector<16xi32>
    %swap3A_304 = vector.shape_cast %add3A_298 : vector<16xi32> to vector<1x16xi32>
    tpu.vector_store %arg5[%swap3A_300, %swap3A_301], %swap3A_304 {strides = array<i32>} : memref<8x128xi32, #tpu.memory_space<vmem>>, vector<1x16xi32>,
    %get3A_305 = arith.constant 2 : i32
    %get3A_306 = arith.index_cast %get3A_305 : i32 to index
    %get3A_307 = arith.constant 32 : index
    %get3A_308 = tpu.vector_load %arg6[%get3A_306, %get3A_307] {strides = array<i32>} : memref<8x128xi32, #tpu.memory_space<vmem>>, vector<1x16xi32>,
    %get3A_309 = vector.shape_cast %get3A_308 : vector<1x16xi32> to vector<16xi32>
    %add3A_310 = arith.constant 2304 : i32
    %add3A_311 = arith.addi %add3A_310, %mul3A_2 : i32
    %add3A_312 = vector.broadcast %add3A_311 : i32 to vector<16xi32>
    %add3A_313 = arith.addi %mul3A_5, %add3A_312 : vector<16xi32>
    %add3A_314 = arith.addi %get3A_309, %add3A_313 : vector<16xi32>
    %swap3A_315 = arith.constant 2 : i32
    %swap3A_316 = arith.index_cast %swap3A_315 : i32 to index
    %swap3A_317 = arith.constant 32 : index
    %swap3A_318 = tpu.vector_load %arg5[%swap3A_316, %swap3A_317] {strides = array<i32>} : memref<8x128xi32, #tpu.memory_space<vmem>>, vector<1x16xi32>,
    %swap3A_319 = vector.shape_cast %swap3A_318 : vector<1x16xi32> to vector<16xi32>
    %swap3A_320 = vector.shape_cast %add3A_314 : vector<16xi32> to vector<1x16xi32>
    tpu.vector_store %arg5[%swap3A_316, %swap3A_317], %swap3A_320 {strides = array<i32>} : memref<8x128xi32, #tpu.memory_space<vmem>>, vector<1x16xi32>,
    %get3A_321 = arith.constant 2 : i32
    %get3A_322 = arith.index_cast %get3A_321 : i32 to index
    %get3A_323 = arith.constant 48 : index
    %get3A_324 = tpu.vector_load %arg6[%get3A_322, %get3A_323] {strides = array<i32>} : memref<8x128xi32, #tpu.memory_space<vmem>>, vector<1x16xi32>,
    %get3A_325 = vector.shape_cast %get3A_324 : vector<1x16xi32> to vector<16xi32>
    %add3A_326 = arith.constant 2432 : i32
    %add3A_327 = arith.addi %add3A_326, %mul3A_2 : i32
    %add3A_328 = vector.broadcast %add3A_327 : i32 to vector<16xi32>
    %add3A_329 = arith.addi %mul3A_5, %add3A_328 : vector<16xi32>
    %add3A_330 = arith.addi %get3A_325, %add3A_329 : vector<16xi32>
    %swap3A_331 = arith.constant 2 : i32
    %swap3A_332 = arith.index_cast %swap3A_331 : i32 to index
    %swap3A_333 = arith.constant 48 : index
    %swap3A_334 = tpu.vector_load %arg5[%swap3A_332, %swap3A_333] {strides = array<i32>} : memref<8x128xi32, #tpu.memory_space<vmem>>, vector<1x16xi32>,
    %swap3A_335 = vector.shape_cast %swap3A_334 : vector<1x16xi32> to vector<16xi32>
    %swap3A_336 = vector.shape_cast %add3A_330 : vector<16xi32> to vector<1x16xi32>
    tpu.vector_store %arg5[%swap3A_332, %swap3A_333], %swap3A_336 {strides = array<i32>} : memref<8x128xi32, #tpu.memory_space<vmem>>, vector<1x16xi32>,
    %get3A_337 = arith.constant 2 : i32
    %get3A_338 = arith.index_cast %get3A_337 : i32 to index
    %get3A_339 = arith.constant 64 : index
    %get3A_340 = tpu.vector_load %arg6[%get3A_338, %get3A_339] {strides = array<i32>} : memref<8x128xi32, #tpu.memory_space<vmem>>, vector<1x16xi32>,
    %get3A_341 = vector.shape_cast %get3A_340 : vector<1x16xi32> to vector<16xi32>
    %add3A_342 = arith.constant 2560 : i32
    %add3A_343 = arith.addi %add3A_342, %mul3A_2 : i32
    %add3A_344 = vector.broadcast %add3A_343 : i32 to vector<16xi32>
    %add3A_345 = arith.addi %mul3A_5, %add3A_344 : vector<16xi32>
    %add3A_346 = arith.addi %get3A_341, %add3A_345 : vector<16xi32>
    %swap3A_347 = arith.constant 2 : i32
    %swap3A_348 = arith.index_cast %swap3A_347 : i32 to index
    %swap3A_349 = arith.constant 64 : index
    %swap3A_350 = tpu.vector_load %arg5[%swap3A_348, %swap3A_349] {strides = array<i32>} : memref<8x128xi32, #tpu.memory_space<vmem>>, vector<1x16xi32>,
    %swap3A_351 = vector.shape_cast %swap3A_350 : vector<1x16xi32> to vector<16xi32>
    %swap3A_352 = vector.shape_cast %add3A_346 : vector<16xi32> to vector<1x16xi32>
    tpu.vector_store %arg5[%swap3A_348, %swap3A_349], %swap3A_352 {strides = array<i32>} : memref<8x128xi32, #tpu.memory_space<vmem>>, vector<1x16xi32>,
    %get3A_353 = arith.constant 2 : i32
    %get3A_354 = arith.index_cast %get3A_353 : i32 to index
    %get3A_355 = arith.constant 80 : index
    %get3A_356 = tpu.vector_load %arg6[%get3A_354, %get3A_355] {strides = array<i32>} : memref<8x128xi32, #tpu.memory_space<vmem>>, vector<1x16xi32>,
    %get3A_357 = vector.shape_cast %get3A_356 : vector<1x16xi32> to vector<16xi32>
    %add3A_358 = arith.constant 2688 : i32
    %add3A_359 = arith.addi %add3A_358, %mul3A_2 : i32
    %add3A_360 = vector.broadcast %add3A_359 : i32 to vector<16xi32>
    %add3A_361 = arith.addi %mul3A_5, %add3A_360 : vector<16xi32>
    %add3A_362 = arith.addi %get3A_357, %add3A_361 : vector<16xi32>
    %swap3A_363 = arith.constant 2 : i32
    %swap3A_364 = arith.index_cast %swap3A_363 : i32 to index
    %swap3A_365 = arith.constant 80 : index
    %swap3A_366 = tpu.vector_load %arg5[%swap3A_364, %swap3A_365] {strides = array<i32>} : memref<8x128xi32, #tpu.memory_space<vmem>>, vector<1x16xi32>,
    %swap3A_367 = vector.shape_cast %swap3A_366 : vector<1x16xi32> to vector<16xi32>
    %swap3A_368 = vector.shape_cast %add3A_362 : vector<16xi32> to vector<1x16xi32>
    tpu.vector_store %arg5[%swap3A_364, %swap3A_365], %swap3A_368 {strides = array<i32>} : memref<8x128xi32, #tpu.memory_space<vmem>>, vector<1x16xi32>,
    %get3A_369 = arith.constant 2 : i32
    %get3A_370 = arith.index_cast %get3A_369 : i32 to index
    %get3A_371 = arith.constant 96 : index
    %get3A_372 = tpu.vector_load %arg6[%get3A_370, %get3A_371] {strides = array<i32>} : memref<8x128xi32, #tpu.memory_space<vmem>>, vector<1x16xi32>,
    %get3A_373 = vector.shape_cast %get3A_372 : vector<1x16xi32> to vector<16xi32>
    %add3A_374 = arith.constant 2816 : i32
    %add3A_375 = arith.addi %add3A_374, %mul3A_2 : i32
    %add3A_376 = vector.broadcast %add3A_375 : i32 to vector<16xi32>
    %add3A_377 = arith.addi %mul3A_5, %add3A_376 : vector<16xi32>
    %add3A_378 = arith.addi %get3A_373, %add3A_377 : vector<16xi32>
    %swap3A_379 = arith.constant 2 : i32
    %swap3A_380 = arith.index_cast %swap3A_379 : i32 to index
    %swap3A_381 = arith.constant 96 : index
    %swap3A_382 = tpu.vector_load %arg5[%swap3A_380, %swap3A_381] {strides = array<i32>} : memref<8x128xi32, #tpu.memory_space<vmem>>, vector<1x16xi32>,
    %swap3A_383 = vector.shape_cast %swap3A_382 : vector<1x16xi32> to vector<16xi32>
    %swap3A_384 = vector.shape_cast %add3A_378 : vector<16xi32> to vector<1x16xi32>
    tpu.vector_store %arg5[%swap3A_380, %swap3A_381], %swap3A_384 {strides = array<i32>} : memref<8x128xi32, #tpu.memory_space<vmem>>, vector<1x16xi32>,
    %get3A_385 = arith.constant 2 : i32
    %get3A_386 = arith.index_cast %get3A_385 : i32 to index
    %get3A_387 = arith.constant 112 : index
    %get3A_388 = tpu.vector_load %arg6[%get3A_386, %get3A_387] {strides = array<i32>} : memref<8x128xi32, #tpu.memory_space<vmem>>, vector<1x16xi32>,
    %get3A_389 = vector.shape_cast %get3A_388 : vector<1x16xi32> to vector<16xi32>
    %add3A_390 = arith.constant 2944 : i32
    %add3A_391 = arith.addi %add3A_390, %mul3A_2 : i32
    %add3A_392 = vector.broadcast %add3A_391 : i32 to vector<16xi32>
    %add3A_393 = arith.addi %mul3A_5, %add3A_392 : vector<16xi32>
    %add3A_394 = arith.addi %get3A_389, %add3A_393 : vector<16xi32>
    %swap3A_395 = arith.constant 2 : i32
    %swap3A_396 = arith.index_cast %swap3A_395 : i32 to index
    %swap3A_397 = arith.constant 112 : index
    %swap3A_398 = tpu.vector_load %arg5[%swap3A_396, %swap3A_397] {strides = array<i32>} : memref<8x128xi32, #tpu.memory_space<vmem>>, vector<1x16xi32>,
    %swap3A_399 = vector.shape_cast %swap3A_398 : vector<1x16xi32> to vector<16xi32>
    %swap3A_400 = vector.shape_cast %add3A_394 : vector<16xi32> to vector<1x16xi32>
    tpu.vector_store %arg5[%swap3A_396, %swap3A_397], %swap3A_400 {strides = array<i32>} : memref<8x128xi32, #tpu.memory_space<vmem>>, vector<1x16xi32>,
    %dma_start3A_401 = arith.constant 2 : i32
    %dma_start3A_402 = arith.constant 0 : i32
    %dma_start3A_403 = tpu.memref_slice %arg5[%dma_start3A_401, %dma_start3A_402] : memref<8x128xi32, #tpu.memory_space<vmem>> -> memref<1x128xi32, #tpu.memory_space<vmem>>
    %dma_start3A_404 = tpu.memref_squeeze %dma_start3A_403 : memref<1x128xi32, #tpu.memory_space<vmem>> -> memref<128xi32, #tpu.memory_space<vmem>>
    %dma_start3A_405 = arith.constant 0 : i32
    %dma_start3A_406 = arith.constant 0 : i32
    %dma_start3A_407 = tpu.memref_slice %arg2[%dma_start3A_405, %dma_start3A_406] : memref<262144x128xf32, #tpu.memory_space<hbm>> -> memref<262144x128xf32, #tpu.memory_space<hbm>>
    tpu.enqueue_indirect_dma source(%dma_start3A_407 : memref<262144x128xf32, #tpu.memory_space<hbm>>) target(%arg9 : memref<128x128xf32, #tpu.memory_space<vmem>>) offsets(%dma_start3A_404 : memref<128xi32, #tpu.memory_space<vmem>>) semaphore(%arg14 : memref<!tpu.dma_semaphore, #tpu.memory_space<semaphore_mem>>)
    %get3A_408 = arith.constant 3 : i32
    %get3A_409 = arith.index_cast %get3A_408 : i32 to index
    %get3A_410 = arith.constant 0 : index
    %get3A_411 = tpu.vector_load %arg6[%get3A_409, %get3A_410] {strides = array<i32>} : memref<8x128xi32, #tpu.memory_space<vmem>>, vector<1x16xi32>,
    %get3A_412 = vector.shape_cast %get3A_411 : vector<1x16xi32> to vector<16xi32>
    %add3A_413 = arith.constant 3072 : i32
    %add3A_414 = arith.addi %add3A_413, %mul3A_2 : i32
    %add3A_415 = vector.broadcast %add3A_414 : i32 to vector<16xi32>
    %add3A_416 = arith.addi %mul3A_5, %add3A_415 : vector<16xi32>
    %add3A_417 = arith.addi %get3A_412, %add3A_416 : vector<16xi32>
    %swap3A_418 = arith.constant 3 : i32
    %swap3A_419 = arith.index_cast %swap3A_418 : i32 to index
    %swap3A_420 = arith.constant 0 : index
    %swap3A_421 = tpu.vector_load %arg5[%swap3A_419, %swap3A_420] {strides = array<i32>} : memref<8x128xi32, #tpu.memory_space<vmem>>, vector<1x16xi32>,
    %swap3A_422 = vector.shape_cast %swap3A_421 : vector<1x16xi32> to vector<16xi32>
    %swap3A_423 = vector.shape_cast %add3A_417 : vector<16xi32> to vector<1x16xi32>
    tpu.vector_store %arg5[%swap3A_419, %swap3A_420], %swap3A_423 {strides = array<i32>} : memref<8x128xi32, #tpu.memory_space<vmem>>, vector<1x16xi32>,
    %get3A_424 = arith.constant 3 : i32
    %get3A_425 = arith.index_cast %get3A_424 : i32 to index
    %get3A_426 = arith.constant 16 : index
    %get3A_427 = tpu.vector_load %arg6[%get3A_425, %get3A_426] {strides = array<i32>} : memref<8x128xi32, #tpu.memory_space<vmem>>, vector<1x16xi32>,
    %get3A_428 = vector.shape_cast %get3A_427 : vector<1x16xi32> to vector<16xi32>
    %add3A_429 = arith.constant 3200 : i32
    %add3A_430 = arith.addi %add3A_429, %mul3A_2 : i32
    %add3A_431 = vector.broadcast %add3A_430 : i32 to vector<16xi32>
    %add3A_432 = arith.addi %mul3A_5, %add3A_431 : vector<16xi32>
    %add3A_433 = arith.addi %get3A_428, %add3A_432 : vector<16xi32>
    %swap3A_434 = arith.constant 3 : i32
    %swap3A_435 = arith.index_cast %swap3A_434 : i32 to index
    %swap3A_436 = arith.constant 16 : index
    %swap3A_437 = tpu.vector_load %arg5[%swap3A_435, %swap3A_436] {strides = array<i32>} : memref<8x128xi32, #tpu.memory_space<vmem>>, vector<1x16xi32>,
    %swap3A_438 = vector.shape_cast %swap3A_437 : vector<1x16xi32> to vector<16xi32>
    %swap3A_439 = vector.shape_cast %add3A_433 : vector<16xi32> to vector<1x16xi32>
    tpu.vector_store %arg5[%swap3A_435, %swap3A_436], %swap3A_439 {strides = array<i32>} : memref<8x128xi32, #tpu.memory_space<vmem>>, vector<1x16xi32>,
    %get3A_440 = arith.constant 3 : i32
    %get3A_441 = arith.index_cast %get3A_440 : i32 to index
    %get3A_442 = arith.constant 32 : index
    %get3A_443 = tpu.vector_load %arg6[%get3A_441, %get3A_442] {strides = array<i32>} : memref<8x128xi32, #tpu.memory_space<vmem>>, vector<1x16xi32>,
    %get3A_444 = vector.shape_cast %get3A_443 : vector<1x16xi32> to vector<16xi32>
    %add3A_445 = arith.constant 3328 : i32
    %add3A_446 = arith.addi %add3A_445, %mul3A_2 : i32
    %add3A_447 = vector.broadcast %add3A_446 : i32 to vector<16xi32>
    %add3A_448 = arith.addi %mul3A_5, %add3A_447 : vector<16xi32>
    %add3A_449 = arith.addi %get3A_444, %add3A_448 : vector<16xi32>
    %swap3A_450 = arith.constant 3 : i32
    %swap3A_451 = arith.index_cast %swap3A_450 : i32 to index
    %swap3A_452 = arith.constant 32 : index
    %swap3A_453 = tpu.vector_load %arg5[%swap3A_451, %swap3A_452] {strides = array<i32>} : memref<8x128xi32, #tpu.memory_space<vmem>>, vector<1x16xi32>,
    %swap3A_454 = vector.shape_cast %swap3A_453 : vector<1x16xi32> to vector<16xi32>
    %swap3A_455 = vector.shape_cast %add3A_449 : vector<16xi32> to vector<1x16xi32>
    tpu.vector_store %arg5[%swap3A_451, %swap3A_452], %swap3A_455 {strides = array<i32>} : memref<8x128xi32, #tpu.memory_space<vmem>>, vector<1x16xi32>,
    %get3A_456 = arith.constant 3 : i32
    %get3A_457 = arith.index_cast %get3A_456 : i32 to index
    %get3A_458 = arith.constant 48 : index
    %get3A_459 = tpu.vector_load %arg6[%get3A_457, %get3A_458] {strides = array<i32>} : memref<8x128xi32, #tpu.memory_space<vmem>>, vector<1x16xi32>,
    %get3A_460 = vector.shape_cast %get3A_459 : vector<1x16xi32> to vector<16xi32>
    %add3A_461 = arith.constant 3456 : i32
    %add3A_462 = arith.addi %add3A_461, %mul3A_2 : i32
    %add3A_463 = vector.broadcast %add3A_462 : i32 to vector<16xi32>
    %add3A_464 = arith.addi %mul3A_5, %add3A_463 : vector<16xi32>
    %add3A_465 = arith.addi %get3A_460, %add3A_464 : vector<16xi32>
    %swap3A_466 = arith.constant 3 : i32
    %swap3A_467 = arith.index_cast %swap3A_466 : i32 to index
    %swap3A_468 = arith.constant 48 : index
    %swap3A_469 = tpu.vector_load %arg5[%swap3A_467, %swap3A_468] {strides = array<i32>} : memref<8x128xi32, #tpu.memory_space<vmem>>, vector<1x16xi32>,
    %swap3A_470 = vector.shape_cast %swap3A_469 : vector<1x16xi32> to vector<16xi32>
    %swap3A_471 = vector.shape_cast %add3A_465 : vector<16xi32> to vector<1x16xi32>
    tpu.vector_store %arg5[%swap3A_467, %swap3A_468], %swap3A_471 {strides = array<i32>} : memref<8x128xi32, #tpu.memory_space<vmem>>, vector<1x16xi32>,
    %get3A_472 = arith.constant 3 : i32
    %get3A_473 = arith.index_cast %get3A_472 : i32 to index
    %get3A_474 = arith.constant 64 : index
    %get3A_475 = tpu.vector_load %arg6[%get3A_473, %get3A_474] {strides = array<i32>} : memref<8x128xi32, #tpu.memory_space<vmem>>, vector<1x16xi32>,
    %get3A_476 = vector.shape_cast %get3A_475 : vector<1x16xi32> to vector<16xi32>
    %add3A_477 = arith.constant 3584 : i32
    %add3A_478 = arith.addi %add3A_477, %mul3A_2 : i32
    %add3A_479 = vector.broadcast %add3A_478 : i32 to vector<16xi32>
    %add3A_480 = arith.addi %mul3A_5, %add3A_479 : vector<16xi32>
    %add3A_481 = arith.addi %get3A_476, %add3A_480 : vector<16xi32>
    %swap3A_482 = arith.constant 3 : i32
    %swap3A_483 = arith.index_cast %swap3A_482 : i32 to index
    %swap3A_484 = arith.constant 64 : index
    %swap3A_485 = tpu.vector_load %arg5[%swap3A_483, %swap3A_484] {strides = array<i32>} : memref<8x128xi32, #tpu.memory_space<vmem>>, vector<1x16xi32>,
    %swap3A_486 = vector.shape_cast %swap3A_485 : vector<1x16xi32> to vector<16xi32>
    %swap3A_487 = vector.shape_cast %add3A_481 : vector<16xi32> to vector<1x16xi32>
    tpu.vector_store %arg5[%swap3A_483, %swap3A_484], %swap3A_487 {strides = array<i32>} : memref<8x128xi32, #tpu.memory_space<vmem>>, vector<1x16xi32>,
    %get3A_488 = arith.constant 3 : i32
    %get3A_489 = arith.index_cast %get3A_488 : i32 to index
    %get3A_490 = arith.constant 80 : index
    %get3A_491 = tpu.vector_load %arg6[%get3A_489, %get3A_490] {strides = array<i32>} : memref<8x128xi32, #tpu.memory_space<vmem>>, vector<1x16xi32>,
    %get3A_492 = vector.shape_cast %get3A_491 : vector<1x16xi32> to vector<16xi32>
    %add3A_493 = arith.constant 3712 : i32
    %add3A_494 = arith.addi %add3A_493, %mul3A_2 : i32
    %add3A_495 = vector.broadcast %add3A_494 : i32 to vector<16xi32>
    %add3A_496 = arith.addi %mul3A_5, %add3A_495 : vector<16xi32>
    %add3A_497 = arith.addi %get3A_492, %add3A_496 : vector<16xi32>
    %swap3A_498 = arith.constant 3 : i32
    %swap3A_499 = arith.index_cast %swap3A_498 : i32 to index
    %swap3A_500 = arith.constant 80 : index
    %swap3A_501 = tpu.vector_load %arg5[%swap3A_499, %swap3A_500] {strides = array<i32>} : memref<8x128xi32, #tpu.memory_space<vmem>>, vector<1x16xi32>,
    %swap3A_502 = vector.shape_cast %swap3A_501 : vector<1x16xi32> to vector<16xi32>
    %swap3A_503 = vector.shape_cast %add3A_497 : vector<16xi32> to vector<1x16xi32>
    tpu.vector_store %arg5[%swap3A_499, %swap3A_500], %swap3A_503 {strides = array<i32>} : memref<8x128xi32, #tpu.memory_space<vmem>>, vector<1x16xi32>,
    %get3A_504 = arith.constant 3 : i32
    %get3A_505 = arith.index_cast %get3A_504 : i32 to index
    %get3A_506 = arith.constant 96 : index
    %get3A_507 = tpu.vector_load %arg6[%get3A_505, %get3A_506] {strides = array<i32>} : memref<8x128xi32, #tpu.memory_space<vmem>>, vector<1x16xi32>,
    %get3A_508 = vector.shape_cast %get3A_507 : vector<1x16xi32> to vector<16xi32>
    %add3A_509 = arith.constant 3840 : i32
    %add3A_510 = arith.addi %add3A_509, %mul3A_2 : i32
    %add3A_511 = vector.broadcast %add3A_510 : i32 to vector<16xi32>
    %add3A_512 = arith.addi %mul3A_5, %add3A_511 : vector<16xi32>
    %add3A_513 = arith.addi %get3A_508, %add3A_512 : vector<16xi32>
    %swap3A_514 = arith.constant 3 : i32
    %swap3A_515 = arith.index_cast %swap3A_514 : i32 to index
    %swap3A_516 = arith.constant 96 : index
    %swap3A_517 = tpu.vector_load %arg5[%swap3A_515, %swap3A_516] {strides = array<i32>} : memref<8x128xi32, #tpu.memory_space<vmem>>, vector<1x16xi32>,
    %swap3A_518 = vector.shape_cast %swap3A_517 : vector<1x16xi32> to vector<16xi32>
    %swap3A_519 = vector.shape_cast %add3A_513 : vector<16xi32> to vector<1x16xi32>
    tpu.vector_store %arg5[%swap3A_515, %swap3A_516], %swap3A_519 {strides = array<i32>} : memref<8x128xi32, #tpu.memory_space<vmem>>, vector<1x16xi32>,
    %get3A_520 = arith.constant 3 : i32
    %get3A_521 = arith.index_cast %get3A_520 : i32 to index
    %get3A_522 = arith.constant 112 : index
    %get3A_523 = tpu.vector_load %arg6[%get3A_521, %get3A_522] {strides = array<i32>} : memref<8x128xi32, #tpu.memory_space<vmem>>, vector<1x16xi32>,
    %get3A_524 = vector.shape_cast %get3A_523 : vector<1x16xi32> to vector<16xi32>
    %add3A_525 = arith.constant 3968 : i32
    %add3A_526 = arith.addi %add3A_525, %mul3A_2 : i32
    %add3A_527 = vector.broadcast %add3A_526 : i32 to vector<16xi32>
    %add3A_528 = arith.addi %mul3A_5, %add3A_527 : vector<16xi32>
    %add3A_529 = arith.addi %get3A_524, %add3A_528 : vector<16xi32>
    %swap3A_530 = arith.constant 3 : i32
    %swap3A_531 = arith.index_cast %swap3A_530 : i32 to index
    %swap3A_532 = arith.constant 112 : index
    %swap3A_533 = tpu.vector_load %arg5[%swap3A_531, %swap3A_532] {strides = array<i32>} : memref<8x128xi32, #tpu.memory_space<vmem>>, vector<1x16xi32>,
    %swap3A_534 = vector.shape_cast %swap3A_533 : vector<1x16xi32> to vector<16xi32>
    %swap3A_535 = vector.shape_cast %add3A_529 : vector<16xi32> to vector<1x16xi32>
    tpu.vector_store %arg5[%swap3A_531, %swap3A_532], %swap3A_535 {strides = array<i32>} : memref<8x128xi32, #tpu.memory_space<vmem>>, vector<1x16xi32>,
    %dma_start3A_536 = arith.constant 3 : i32
    %dma_start3A_537 = arith.constant 0 : i32
    %dma_start3A_538 = tpu.memref_slice %arg5[%dma_start3A_536, %dma_start3A_537] : memref<8x128xi32, #tpu.memory_space<vmem>> -> memref<1x128xi32, #tpu.memory_space<vmem>>
    %dma_start3A_539 = tpu.memref_squeeze %dma_start3A_538 : memref<1x128xi32, #tpu.memory_space<vmem>> -> memref<128xi32, #tpu.memory_space<vmem>>
    %dma_start3A_540 = arith.constant 0 : i32
    %dma_start3A_541 = arith.constant 0 : i32
    %dma_start3A_542 = tpu.memref_slice %arg2[%dma_start3A_540, %dma_start3A_541] : memref<262144x128xf32, #tpu.memory_space<hbm>> -> memref<262144x128xf32, #tpu.memory_space<hbm>>
    tpu.enqueue_indirect_dma source(%dma_start3A_542 : memref<262144x128xf32, #tpu.memory_space<hbm>>) target(%arg10 : memref<128x128xf32, #tpu.memory_space<vmem>>) offsets(%dma_start3A_539 : memref<128xi32, #tpu.memory_space<vmem>>) semaphore(%arg14 : memref<!tpu.dma_semaphore, #tpu.memory_space<semaphore_mem>>)
    %get3A_543 = arith.constant 4 : i32
    %get3A_544 = arith.index_cast %get3A_543 : i32 to index
    %get3A_545 = arith.constant 0 : index
    %get3A_546 = tpu.vector_load %arg6[%get3A_544, %get3A_545] {strides = array<i32>} : memref<8x128xi32, #tpu.memory_space<vmem>>, vector<1x16xi32>,
    %get3A_547 = vector.shape_cast %get3A_546 : vector<1x16xi32> to vector<16xi32>
    %add3A_548 = arith.constant 4096 : i32
    %add3A_549 = arith.addi %add3A_548, %mul3A_2 : i32
    %add3A_550 = vector.broadcast %add3A_549 : i32 to vector<16xi32>
    %add3A_551 = arith.addi %mul3A_5, %add3A_550 : vector<16xi32>
    %add3A_552 = arith.addi %get3A_547, %add3A_551 : vector<16xi32>
    %swap3A_553 = arith.constant 4 : i32
    %swap3A_554 = arith.index_cast %swap3A_553 : i32 to index
    %swap3A_555 = arith.constant 0 : index
    %swap3A_556 = tpu.vector_load %arg5[%swap3A_554, %swap3A_555] {strides = array<i32>} : memref<8x128xi32, #tpu.memory_space<vmem>>, vector<1x16xi32>,
    %swap3A_557 = vector.shape_cast %swap3A_556 : vector<1x16xi32> to vector<16xi32>
    %swap3A_558 = vector.shape_cast %add3A_552 : vector<16xi32> to vector<1x16xi32>
    tpu.vector_store %arg5[%swap3A_554, %swap3A_555], %swap3A_558 {strides = array<i32>} : memref<8x128xi32, #tpu.memory_space<vmem>>, vector<1x16xi32>,
    %get3A_559 = arith.constant 4 : i32
    %get3A_560 = arith.index_cast %get3A_559 : i32 to index
    %get3A_561 = arith.constant 16 : index
    %get3A_562 = tpu.vector_load %arg6[%get3A_560, %get3A_561] {strides = array<i32>} : memref<8x128xi32, #tpu.memory_space<vmem>>, vector<1x16xi32>,
    %get3A_563 = vector.shape_cast %get3A_562 : vector<1x16xi32> to vector<16xi32>
    %add3A_564 = arith.constant 4224 : i32
    %add3A_565 = arith.addi %add3A_564, %mul3A_2 : i32
    %add3A_566 = vector.broadcast %add3A_565 : i32 to vector<16xi32>
    %add3A_567 = arith.addi %mul3A_5, %add3A_566 : vector<16xi32>
    %add3A_568 = arith.addi %get3A_563, %add3A_567 : vector<16xi32>
    %swap3A_569 = arith.constant 4 : i32
    %swap3A_570 = arith.index_cast %swap3A_569 : i32 to index
    %swap3A_571 = arith.constant 16 : index
    %swap3A_572 = tpu.vector_load %arg5[%swap3A_570, %swap3A_571] {strides = array<i32>} : memref<8x128xi32, #tpu.memory_space<vmem>>, vector<1x16xi32>,
    %swap3A_573 = vector.shape_cast %swap3A_572 : vector<1x16xi32> to vector<16xi32>
    %swap3A_574 = vector.shape_cast %add3A_568 : vector<16xi32> to vector<1x16xi32>
    tpu.vector_store %arg5[%swap3A_570, %swap3A_571], %swap3A_574 {strides = array<i32>} : memref<8x128xi32, #tpu.memory_space<vmem>>, vector<1x16xi32>,
    %get3A_575 = arith.constant 4 : i32
    %get3A_576 = arith.index_cast %get3A_575 : i32 to index
    %get3A_577 = arith.constant 32 : index
    %get3A_578 = tpu.vector_load %arg6[%get3A_576, %get3A_577] {strides = array<i32>} : memref<8x128xi32, #tpu.memory_space<vmem>>, vector<1x16xi32>,
    %get3A_579 = vector.shape_cast %get3A_578 : vector<1x16xi32> to vector<16xi32>
    %add3A_580 = arith.constant 4352 : i32
    %add3A_581 = arith.addi %add3A_580, %mul3A_2 : i32
    %add3A_582 = vector.broadcast %add3A_581 : i32 to vector<16xi32>
    %add3A_583 = arith.addi %mul3A_5, %add3A_582 : vector<16xi32>
    %add3A_584 = arith.addi %get3A_579, %add3A_583 : vector<16xi32>
    %swap3A_585 = arith.constant 4 : i32
    %swap3A_586 = arith.index_cast %swap3A_585 : i32 to index
    %swap3A_587 = arith.constant 32 : index
    %swap3A_588 = tpu.vector_load %arg5[%swap3A_586, %swap3A_587] {strides = array<i32>} : memref<8x128xi32, #tpu.memory_space<vmem>>, vector<1x16xi32>,
    %swap3A_589 = vector.shape_cast %swap3A_588 : vector<1x16xi32> to vector<16xi32>
    %swap3A_590 = vector.shape_cast %add3A_584 : vector<16xi32> to vector<1x16xi32>
    tpu.vector_store %arg5[%swap3A_586, %swap3A_587], %swap3A_590 {strides = array<i32>} : memref<8x128xi32, #tpu.memory_space<vmem>>, vector<1x16xi32>,
    %get3A_591 = arith.constant 4 : i32
    %get3A_592 = arith.index_cast %get3A_591 : i32 to index
    %get3A_593 = arith.constant 48 : index
    %get3A_594 = tpu.vector_load %arg6[%get3A_592, %get3A_593] {strides = array<i32>} : memref<8x128xi32, #tpu.memory_space<vmem>>, vector<1x16xi32>,
    %get3A_595 = vector.shape_cast %get3A_594 : vector<1x16xi32> to vector<16xi32>
    %add3A_596 = arith.constant 4480 : i32
    %add3A_597 = arith.addi %add3A_596, %mul3A_2 : i32
    %add3A_598 = vector.broadcast %add3A_597 : i32 to vector<16xi32>
    %add3A_599 = arith.addi %mul3A_5, %add3A_598 : vector<16xi32>
    %add3A_600 = arith.addi %get3A_595, %add3A_599 : vector<16xi32>
    %swap3A_601 = arith.constant 4 : i32
    %swap3A_602 = arith.index_cast %swap3A_601 : i32 to index
    %swap3A_603 = arith.constant 48 : index
    %swap3A_604 = tpu.vector_load %arg5[%swap3A_602, %swap3A_603] {strides = array<i32>} : memref<8x128xi32, #tpu.memory_space<vmem>>, vector<1x16xi32>,
    %swap3A_605 = vector.shape_cast %swap3A_604 : vector<1x16xi32> to vector<16xi32>
    %swap3A_606 = vector.shape_cast %add3A_600 : vector<16xi32> to vector<1x16xi32>
    tpu.vector_store %arg5[%swap3A_602, %swap3A_603], %swap3A_606 {strides = array<i32>} : memref<8x128xi32, #tpu.memory_space<vmem>>, vector<1x16xi32>,
    %get3A_607 = arith.constant 4 : i32
    %get3A_608 = arith.index_cast %get3A_607 : i32 to index
    %get3A_609 = arith.constant 64 : index
    %get3A_610 = tpu.vector_load %arg6[%get3A_608, %get3A_609] {strides = array<i32>} : memref<8x128xi32, #tpu.memory_space<vmem>>, vector<1x16xi32>,
    %get3A_611 = vector.shape_cast %get3A_610 : vector<1x16xi32> to vector<16xi32>
    %add3A_612 = arith.constant 4608 : i32
    %add3A_613 = arith.addi %add3A_612, %mul3A_2 : i32
    %add3A_614 = vector.broadcast %add3A_613 : i32 to vector<16xi32>
    %add3A_615 = arith.addi %mul3A_5, %add3A_614 : vector<16xi32>
    %add3A_616 = arith.addi %get3A_611, %add3A_615 : vector<16xi32>
    %swap3A_617 = arith.constant 4 : i32
    %swap3A_618 = arith.index_cast %swap3A_617 : i32 to index
    %swap3A_619 = arith.constant 64 : index
    %swap3A_620 = tpu.vector_load %arg5[%swap3A_618, %swap3A_619] {strides = array<i32>} : memref<8x128xi32, #tpu.memory_space<vmem>>, vector<1x16xi32>,
    %swap3A_621 = vector.shape_cast %swap3A_620 : vector<1x16xi32> to vector<16xi32>
    %swap3A_622 = vector.shape_cast %add3A_616 : vector<16xi32> to vector<1x16xi32>
    tpu.vector_store %arg5[%swap3A_618, %swap3A_619], %swap3A_622 {strides = array<i32>} : memref<8x128xi32, #tpu.memory_space<vmem>>, vector<1x16xi32>,
    %get3A_623 = arith.constant 4 : i32
    %get3A_624 = arith.index_cast %get3A_623 : i32 to index
    %get3A_625 = arith.constant 80 : index
    %get3A_626 = tpu.vector_load %arg6[%get3A_624, %get3A_625] {strides = array<i32>} : memref<8x128xi32, #tpu.memory_space<vmem>>, vector<1x16xi32>,
    %get3A_627 = vector.shape_cast %get3A_626 : vector<1x16xi32> to vector<16xi32>
    %add3A_628 = arith.constant 4736 : i32
    %add3A_629 = arith.addi %add3A_628, %mul3A_2 : i32
    %add3A_630 = vector.broadcast %add3A_629 : i32 to vector<16xi32>
    %add3A_631 = arith.addi %mul3A_5, %add3A_630 : vector<16xi32>
    %add3A_632 = arith.addi %get3A_627, %add3A_631 : vector<16xi32>
    %swap3A_633 = arith.constant 4 : i32
    %swap3A_634 = arith.index_cast %swap3A_633 : i32 to index
    %swap3A_635 = arith.constant 80 : index
    %swap3A_636 = tpu.vector_load %arg5[%swap3A_634, %swap3A_635] {strides = array<i32>} : memref<8x128xi32, #tpu.memory_space<vmem>>, vector<1x16xi32>,
    %swap3A_637 = vector.shape_cast %swap3A_636 : vector<1x16xi32> to vector<16xi32>
    %swap3A_638 = vector.shape_cast %add3A_632 : vector<16xi32> to vector<1x16xi32>
    tpu.vector_store %arg5[%swap3A_634, %swap3A_635], %swap3A_638 {strides = array<i32>} : memref<8x128xi32, #tpu.memory_space<vmem>>, vector<1x16xi32>,
    %get3A_639 = arith.constant 4 : i32
    %get3A_640 = arith.index_cast %get3A_639 : i32 to index
    %get3A_641 = arith.constant 96 : index
    %get3A_642 = tpu.vector_load %arg6[%get3A_640, %get3A_641] {strides = array<i32>} : memref<8x128xi32, #tpu.memory_space<vmem>>, vector<1x16xi32>,
    %get3A_643 = vector.shape_cast %get3A_642 : vector<1x16xi32> to vector<16xi32>
    %add3A_644 = arith.constant 4864 : i32
    %add3A_645 = arith.addi %add3A_644, %mul3A_2 : i32
    %add3A_646 = vector.broadcast %add3A_645 : i32 to vector<16xi32>
    %add3A_647 = arith.addi %mul3A_5, %add3A_646 : vector<16xi32>
    %add3A_648 = arith.addi %get3A_643, %add3A_647 : vector<16xi32>
    %swap3A_649 = arith.constant 4 : i32
    %swap3A_650 = arith.index_cast %swap3A_649 : i32 to index
    %swap3A_651 = arith.constant 96 : index
    %swap3A_652 = tpu.vector_load %arg5[%swap3A_650, %swap3A_651] {strides = array<i32>} : memref<8x128xi32, #tpu.memory_space<vmem>>, vector<1x16xi32>,
    %swap3A_653 = vector.shape_cast %swap3A_652 : vector<1x16xi32> to vector<16xi32>
    %swap3A_654 = vector.shape_cast %add3A_648 : vector<16xi32> to vector<1x16xi32>
    tpu.vector_store %arg5[%swap3A_650, %swap3A_651], %swap3A_654 {strides = array<i32>} : memref<8x128xi32, #tpu.memory_space<vmem>>, vector<1x16xi32>,
    %get3A_655 = arith.constant 4 : i32
    %get3A_656 = arith.index_cast %get3A_655 : i32 to index
    %get3A_657 = arith.constant 112 : index
    %get3A_658 = tpu.vector_load %arg6[%get3A_656, %get3A_657] {strides = array<i32>} : memref<8x128xi32, #tpu.memory_space<vmem>>, vector<1x16xi32>,
    %get3A_659 = vector.shape_cast %get3A_658 : vector<1x16xi32> to vector<16xi32>
    %add3A_660 = arith.constant 4992 : i32
    %add3A_661 = arith.addi %add3A_660, %mul3A_2 : i32
    %add3A_662 = vector.broadcast %add3A_661 : i32 to vector<16xi32>
    %add3A_663 = arith.addi %mul3A_5, %add3A_662 : vector<16xi32>
    %add3A_664 = arith.addi %get3A_659, %add3A_663 : vector<16xi32>
    %swap3A_665 = arith.constant 4 : i32
    %swap3A_666 = arith.index_cast %swap3A_665 : i32 to index
    %swap3A_667 = arith.constant 112 : index
    %swap3A_668 = tpu.vector_load %arg5[%swap3A_666, %swap3A_667] {strides = array<i32>} : memref<8x128xi32, #tpu.memory_space<vmem>>, vector<1x16xi32>,
    %swap3A_669 = vector.shape_cast %swap3A_668 : vector<1x16xi32> to vector<16xi32>
    %swap3A_670 = vector.shape_cast %add3A_664 : vector<16xi32> to vector<1x16xi32>
    tpu.vector_store %arg5[%swap3A_666, %swap3A_667], %swap3A_670 {strides = array<i32>} : memref<8x128xi32, #tpu.memory_space<vmem>>, vector<1x16xi32>,
    %dma_start3A_671 = arith.constant 4 : i32
    %dma_start3A_672 = arith.constant 0 : i32
    %dma_start3A_673 = tpu.memref_slice %arg5[%dma_start3A_671, %dma_start3A_672] : memref<8x128xi32, #tpu.memory_space<vmem>> -> memref<1x128xi32, #tpu.memory_space<vmem>>
    %dma_start3A_674 = tpu.memref_squeeze %dma_start3A_673 : memref<1x128xi32, #tpu.memory_space<vmem>> -> memref<128xi32, #tpu.memory_space<vmem>>
    %dma_start3A_675 = arith.constant 0 : i32
    %dma_start3A_676 = arith.constant 0 : i32
    %dma_start3A_677 = tpu.memref_slice %arg2[%dma_start3A_675, %dma_start3A_676] : memref<262144x128xf32, #tpu.memory_space<hbm>> -> memref<262144x128xf32, #tpu.memory_space<hbm>>
    tpu.enqueue_indirect_dma source(%dma_start3A_677 : memref<262144x128xf32, #tpu.memory_space<hbm>>) target(%arg11 : memref<128x128xf32, #tpu.memory_space<vmem>>) offsets(%dma_start3A_674 : memref<128xi32, #tpu.memory_space<vmem>>) semaphore(%arg14 : memref<!tpu.dma_semaphore, #tpu.memory_space<semaphore_mem>>)
    %get3A_678 = arith.constant 5 : i32
    %get3A_679 = arith.index_cast %get3A_678 : i32 to index
    %get3A_680 = arith.constant 0 : index
    %get3A_681 = tpu.vector_load %arg6[%get3A_679, %get3A_680] {strides = array<i32>} : memref<8x128xi32, #tpu.memory_space<vmem>>, vector<1x16xi32>,
    %get3A_682 = vector.shape_cast %get3A_681 : vector<1x16xi32> to vector<16xi32>
    %add3A_683 = arith.constant 5120 : i32
    %add3A_684 = arith.addi %add3A_683, %mul3A_2 : i32
    %add3A_685 = vector.broadcast %add3A_684 : i32 to vector<16xi32>
    %add3A_686 = arith.addi %mul3A_5, %add3A_685 : vector<16xi32>
    %add3A_687 = arith.addi %get3A_682, %add3A_686 : vector<16xi32>
    %swap3A_688 = arith.constant 5 : i32
    %swap3A_689 = arith.index_cast %swap3A_688 : i32 to index
    %swap3A_690 = arith.constant 0 : index
    %swap3A_691 = tpu.vector_load %arg5[%swap3A_689, %swap3A_690] {strides = array<i32>} : memref<8x128xi32, #tpu.memory_space<vmem>>, vector<1x16xi32>,
    %swap3A_692 = vector.shape_cast %swap3A_691 : vector<1x16xi32> to vector<16xi32>
    %swap3A_693 = vector.shape_cast %add3A_687 : vector<16xi32> to vector<1x16xi32>
    tpu.vector_store %arg5[%swap3A_689, %swap3A_690], %swap3A_693 {strides = array<i32>} : memref<8x128xi32, #tpu.memory_space<vmem>>, vector<1x16xi32>,
    %get3A_694 = arith.constant 5 : i32
    %get3A_695 = arith.index_cast %get3A_694 : i32 to index
    %get3A_696 = arith.constant 16 : index
    %get3A_697 = tpu.vector_load %arg6[%get3A_695, %get3A_696] {strides = array<i32>} : memref<8x128xi32, #tpu.memory_space<vmem>>, vector<1x16xi32>,
    %get3A_698 = vector.shape_cast %get3A_697 : vector<1x16xi32> to vector<16xi32>
    %add3A_699 = arith.constant 5248 : i32
    %add3A_700 = arith.addi %add3A_699, %mul3A_2 : i32
    %add3A_701 = vector.broadcast %add3A_700 : i32 to vector<16xi32>
    %add3A_702 = arith.addi %mul3A_5, %add3A_701 : vector<16xi32>
    %add3A_703 = arith.addi %get3A_698, %add3A_702 : vector<16xi32>
    %swap3A_704 = arith.constant 5 : i32
    %swap3A_705 = arith.index_cast %swap3A_704 : i32 to index
    %swap3A_706 = arith.constant 16 : index
    %swap3A_707 = tpu.vector_load %arg5[%swap3A_705, %swap3A_706] {strides = array<i32>} : memref<8x128xi32, #tpu.memory_space<vmem>>, vector<1x16xi32>,
    %swap3A_708 = vector.shape_cast %swap3A_707 : vector<1x16xi32> to vector<16xi32>
    %swap3A_709 = vector.shape_cast %add3A_703 : vector<16xi32> to vector<1x16xi32>
    tpu.vector_store %arg5[%swap3A_705, %swap3A_706], %swap3A_709 {strides = array<i32>} : memref<8x128xi32, #tpu.memory_space<vmem>>, vector<1x16xi32>,
    %get3A_710 = arith.constant 5 : i32
    %get3A_711 = arith.index_cast %get3A_710 : i32 to index
    %get3A_712 = arith.constant 32 : index
    %get3A_713 = tpu.vector_load %arg6[%get3A_711, %get3A_712] {strides = array<i32>} : memref<8x128xi32, #tpu.memory_space<vmem>>, vector<1x16xi32>,
    %get3A_714 = vector.shape_cast %get3A_713 : vector<1x16xi32> to vector<16xi32>
    %add3A_715 = arith.constant 5376 : i32
    %add3A_716 = arith.addi %add3A_715, %mul3A_2 : i32
    %add3A_717 = vector.broadcast %add3A_716 : i32 to vector<16xi32>
    %add3A_718 = arith.addi %mul3A_5, %add3A_717 : vector<16xi32>
    %add3A_719 = arith.addi %get3A_714, %add3A_718 : vector<16xi32>
    %swap3A_720 = arith.constant 5 : i32
    %swap3A_721 = arith.index_cast %swap3A_720 : i32 to index
    %swap3A_722 = arith.constant 32 : index
    %swap3A_723 = tpu.vector_load %arg5[%swap3A_721, %swap3A_722] {strides = array<i32>} : memref<8x128xi32, #tpu.memory_space<vmem>>, vector<1x16xi32>,
    %swap3A_724 = vector.shape_cast %swap3A_723 : vector<1x16xi32> to vector<16xi32>
    %swap3A_725 = vector.shape_cast %add3A_719 : vector<16xi32> to vector<1x16xi32>
    tpu.vector_store %arg5[%swap3A_721, %swap3A_722], %swap3A_725 {strides = array<i32>} : memref<8x128xi32, #tpu.memory_space<vmem>>, vector<1x16xi32>,
    %get3A_726 = arith.constant 5 : i32
    %get3A_727 = arith.index_cast %get3A_726 : i32 to index
    %get3A_728 = arith.constant 48 : index
    %get3A_729 = tpu.vector_load %arg6[%get3A_727, %get3A_728] {strides = array<i32>} : memref<8x128xi32, #tpu.memory_space<vmem>>, vector<1x16xi32>,
    %get3A_730 = vector.shape_cast %get3A_729 : vector<1x16xi32> to vector<16xi32>
    %add3A_731 = arith.constant 5504 : i32
    %add3A_732 = arith.addi %add3A_731, %mul3A_2 : i32
    %add3A_733 = vector.broadcast %add3A_732 : i32 to vector<16xi32>
    %add3A_734 = arith.addi %mul3A_5, %add3A_733 : vector<16xi32>
    %add3A_735 = arith.addi %get3A_730, %add3A_734 : vector<16xi32>
    %swap3A_736 = arith.constant 5 : i32
    %swap3A_737 = arith.index_cast %swap3A_736 : i32 to index
    %swap3A_738 = arith.constant 48 : index
    %swap3A_739 = tpu.vector_load %arg5[%swap3A_737, %swap3A_738] {strides = array<i32>} : memref<8x128xi32, #tpu.memory_space<vmem>>, vector<1x16xi32>,
    %swap3A_740 = vector.shape_cast %swap3A_739 : vector<1x16xi32> to vector<16xi32>
    %swap3A_741 = vector.shape_cast %add3A_735 : vector<16xi32> to vector<1x16xi32>
    tpu.vector_store %arg5[%swap3A_737, %swap3A_738], %swap3A_741 {strides = array<i32>} : memref<8x128xi32, #tpu.memory_space<vmem>>, vector<1x16xi32>,
    %get3A_742 = arith.constant 5 : i32
    %get3A_743 = arith.index_cast %get3A_742 : i32 to index
    %get3A_744 = arith.constant 64 : index
    %get3A_745 = tpu.vector_load %arg6[%get3A_743, %get3A_744] {strides = array<i32>} : memref<8x128xi32, #tpu.memory_space<vmem>>, vector<1x16xi32>,
    %get3A_746 = vector.shape_cast %get3A_745 : vector<1x16xi32> to vector<16xi32>
    %add3A_747 = arith.constant 5632 : i32
    %add3A_748 = arith.addi %add3A_747, %mul3A_2 : i32
    %add3A_749 = vector.broadcast %add3A_748 : i32 to vector<16xi32>
    %add3A_750 = arith.addi %mul3A_5, %add3A_749 : vector<16xi32>
    %add3A_751 = arith.addi %get3A_746, %add3A_750 : vector<16xi32>
    %swap3A_752 = arith.constant 5 : i32
    %swap3A_753 = arith.index_cast %swap3A_752 : i32 to index
    %swap3A_754 = arith.constant 64 : index
    %swap3A_755 = tpu.vector_load %arg5[%swap3A_753, %swap3A_754] {strides = array<i32>} : memref<8x128xi32, #tpu.memory_space<vmem>>, vector<1x16xi32>,
    %swap3A_756 = vector.shape_cast %swap3A_755 : vector<1x16xi32> to vector<16xi32>
    %swap3A_757 = vector.shape_cast %add3A_751 : vector<16xi32> to vector<1x16xi32>
    tpu.vector_store %arg5[%swap3A_753, %swap3A_754], %swap3A_757 {strides = array<i32>} : memref<8x128xi32, #tpu.memory_space<vmem>>, vector<1x16xi32>,
    %get3A_758 = arith.constant 5 : i32
    %get3A_759 = arith.index_cast %get3A_758 : i32 to index
    %get3A_760 = arith.constant 80 : index
    %get3A_761 = tpu.vector_load %arg6[%get3A_759, %get3A_760] {strides = array<i32>} : memref<8x128xi32, #tpu.memory_space<vmem>>, vector<1x16xi32>,
    %get3A_762 = vector.shape_cast %get3A_761 : vector<1x16xi32> to vector<16xi32>
    %add3A_763 = arith.constant 5760 : i32
    %add3A_764 = arith.addi %add3A_763, %mul3A_2 : i32
    %add3A_765 = vector.broadcast %add3A_764 : i32 to vector<16xi32>
    %add3A_766 = arith.addi %mul3A_5, %add3A_765 : vector<16xi32>
    %add3A_767 = arith.addi %get3A_762, %add3A_766 : vector<16xi32>
    %swap3A_768 = arith.constant 5 : i32
    %swap3A_769 = arith.index_cast %swap3A_768 : i32 to index
    %swap3A_770 = arith.constant 80 : index
    %swap3A_771 = tpu.vector_load %arg5[%swap3A_769, %swap3A_770] {strides = array<i32>} : memref<8x128xi32, #tpu.memory_space<vmem>>, vector<1x16xi32>,
    %swap3A_772 = vector.shape_cast %swap3A_771 : vector<1x16xi32> to vector<16xi32>
    %swap3A_773 = vector.shape_cast %add3A_767 : vector<16xi32> to vector<1x16xi32>
    tpu.vector_store %arg5[%swap3A_769, %swap3A_770], %swap3A_773 {strides = array<i32>} : memref<8x128xi32, #tpu.memory_space<vmem>>, vector<1x16xi32>,
    %get3A_774 = arith.constant 5 : i32
    %get3A_775 = arith.index_cast %get3A_774 : i32 to index
    %get3A_776 = arith.constant 96 : index
    %get3A_777 = tpu.vector_load %arg6[%get3A_775, %get3A_776] {strides = array<i32>} : memref<8x128xi32, #tpu.memory_space<vmem>>, vector<1x16xi32>,
    %get3A_778 = vector.shape_cast %get3A_777 : vector<1x16xi32> to vector<16xi32>
    %add3A_779 = arith.constant 5888 : i32
    %add3A_780 = arith.addi %add3A_779, %mul3A_2 : i32
    %add3A_781 = vector.broadcast %add3A_780 : i32 to vector<16xi32>
    %add3A_782 = arith.addi %mul3A_5, %add3A_781 : vector<16xi32>
    %add3A_783 = arith.addi %get3A_778, %add3A_782 : vector<16xi32>
    %swap3A_784 = arith.constant 5 : i32
    %swap3A_785 = arith.index_cast %swap3A_784 : i32 to index
    %swap3A_786 = arith.constant 96 : index
    %swap3A_787 = tpu.vector_load %arg5[%swap3A_785, %swap3A_786] {strides = array<i32>} : memref<8x128xi32, #tpu.memory_space<vmem>>, vector<1x16xi32>,
    %swap3A_788 = vector.shape_cast %swap3A_787 : vector<1x16xi32> to vector<16xi32>
    %swap3A_789 = vector.shape_cast %add3A_783 : vector<16xi32> to vector<1x16xi32>
    tpu.vector_store %arg5[%swap3A_785, %swap3A_786], %swap3A_789 {strides = array<i32>} : memref<8x128xi32, #tpu.memory_space<vmem>>, vector<1x16xi32>,
    %get3A_790 = arith.constant 5 : i32
    %get3A_791 = arith.index_cast %get3A_790 : i32 to index
    %get3A_792 = arith.constant 112 : index
    %get3A_793 = tpu.vector_load %arg6[%get3A_791, %get3A_792] {strides = array<i32>} : memref<8x128xi32, #tpu.memory_space<vmem>>, vector<1x16xi32>,
    %get3A_794 = vector.shape_cast %get3A_793 : vector<1x16xi32> to vector<16xi32>
    %add3A_795 = arith.constant 6016 : i32
    %add3A_796 = arith.addi %add3A_795, %mul3A_2 : i32
    %add3A_797 = vector.broadcast %add3A_796 : i32 to vector<16xi32>
    %add3A_798 = arith.addi %mul3A_5, %add3A_797 : vector<16xi32>
    %add3A_799 = arith.addi %get3A_794, %add3A_798 : vector<16xi32>
    %swap3A_800 = arith.constant 5 : i32
    %swap3A_801 = arith.index_cast %swap3A_800 : i32 to index
    %swap3A_802 = arith.constant 112 : index
    %swap3A_803 = tpu.vector_load %arg5[%swap3A_801, %swap3A_802] {strides = array<i32>} : memref<8x128xi32, #tpu.memory_space<vmem>>, vector<1x16xi32>,
    %swap3A_804 = vector.shape_cast %swap3A_803 : vector<1x16xi32> to vector<16xi32>
    %swap3A_805 = vector.shape_cast %add3A_799 : vector<16xi32> to vector<1x16xi32>
    tpu.vector_store %arg5[%swap3A_801, %swap3A_802], %swap3A_805 {strides = array<i32>} : memref<8x128xi32, #tpu.memory_space<vmem>>, vector<1x16xi32>,
    %dma_start3A_806 = arith.constant 5 : i32
    %dma_start3A_807 = arith.constant 0 : i32
    %dma_start3A_808 = tpu.memref_slice %arg5[%dma_start3A_806, %dma_start3A_807] : memref<8x128xi32, #tpu.memory_space<vmem>> -> memref<1x128xi32, #tpu.memory_space<vmem>>
    %dma_start3A_809 = tpu.memref_squeeze %dma_start3A_808 : memref<1x128xi32, #tpu.memory_space<vmem>> -> memref<128xi32, #tpu.memory_space<vmem>>
    %dma_start3A_810 = arith.constant 0 : i32
    %dma_start3A_811 = arith.constant 0 : i32
    %dma_start3A_812 = tpu.memref_slice %arg2[%dma_start3A_810, %dma_start3A_811] : memref<262144x128xf32, #tpu.memory_space<hbm>> -> memref<262144x128xf32, #tpu.memory_space<hbm>>
    tpu.enqueue_indirect_dma source(%dma_start3A_812 : memref<262144x128xf32, #tpu.memory_space<hbm>>) target(%arg12 : memref<128x128xf32, #tpu.memory_space<vmem>>) offsets(%dma_start3A_809 : memref<128xi32, #tpu.memory_space<vmem>>) semaphore(%arg14 : memref<!tpu.dma_semaphore, #tpu.memory_space<semaphore_mem>>)
    %get3A_813 = arith.constant 6 : i32
    %get3A_814 = arith.index_cast %get3A_813 : i32 to index
    %get3A_815 = arith.constant 0 : index
    %get3A_816 = tpu.vector_load %arg6[%get3A_814, %get3A_815] {strides = array<i32>} : memref<8x128xi32, #tpu.memory_space<vmem>>, vector<1x16xi32>,
    %get3A_817 = vector.shape_cast %get3A_816 : vector<1x16xi32> to vector<16xi32>
    %add3A_818 = arith.constant 6144 : i32
    %add3A_819 = arith.addi %add3A_818, %mul3A_2 : i32
    %add3A_820 = vector.broadcast %add3A_819 : i32 to vector<16xi32>
    %add3A_821 = arith.addi %mul3A_5, %add3A_820 : vector<16xi32>
    %add3A_822 = arith.addi %get3A_817, %add3A_821 : vector<16xi32>
    %swap3A_823 = arith.constant 6 : i32
    %swap3A_824 = arith.index_cast %swap3A_823 : i32 to index
    %swap3A_825 = arith.constant 0 : index
    %swap3A_826 = tpu.vector_load %arg5[%swap3A_824, %swap3A_825] {strides = array<i32>} : memref<8x128xi32, #tpu.memory_space<vmem>>, vector<1x16xi32>,
    %swap3A_827 = vector.shape_cast %swap3A_826 : vector<1x16xi32> to vector<16xi32>
    %swap3A_828 = vector.shape_cast %add3A_822 : vector<16xi32> to vector<1x16xi32>
    tpu.vector_store %arg5[%swap3A_824, %swap3A_825], %swap3A_828 {strides = array<i32>} : memref<8x128xi32, #tpu.memory_space<vmem>>, vector<1x16xi32>,
    %get3A_829 = arith.constant 6 : i32
    %get3A_830 = arith.index_cast %get3A_829 : i32 to index
    %get3A_831 = arith.constant 16 : index
    %get3A_832 = tpu.vector_load %arg6[%get3A_830, %get3A_831] {strides = array<i32>} : memref<8x128xi32, #tpu.memory_space<vmem>>, vector<1x16xi32>,
    %get3A_833 = vector.shape_cast %get3A_832 : vector<1x16xi32> to vector<16xi32>
    %add3A_834 = arith.constant 6272 : i32
    %add3A_835 = arith.addi %add3A_834, %mul3A_2 : i32
    %add3A_836 = vector.broadcast %add3A_835 : i32 to vector<16xi32>
    %add3A_837 = arith.addi %mul3A_5, %add3A_836 : vector<16xi32>
    %add3A_838 = arith.addi %get3A_833, %add3A_837 : vector<16xi32>
    %swap3A_839 = arith.constant 6 : i32
    %swap3A_840 = arith.index_cast %swap3A_839 : i32 to index
    %swap3A_841 = arith.constant 16 : index
    %swap3A_842 = tpu.vector_load %arg5[%swap3A_840, %swap3A_841] {strides = array<i32>} : memref<8x128xi32, #tpu.memory_space<vmem>>, vector<1x16xi32>,
    %swap3A_843 = vector.shape_cast %swap3A_842 : vector<1x16xi32> to vector<16xi32>
    %swap3A_844 = vector.shape_cast %add3A_838 : vector<16xi32> to vector<1x16xi32>
    tpu.vector_store %arg5[%swap3A_840, %swap3A_841], %swap3A_844 {strides = array<i32>} : memref<8x128xi32, #tpu.memory_space<vmem>>, vector<1x16xi32>,
    %get3A_845 = arith.constant 6 : i32
    %get3A_846 = arith.index_cast %get3A_845 : i32 to index
    %get3A_847 = arith.constant 32 : index
    %get3A_848 = tpu.vector_load %arg6[%get3A_846, %get3A_847] {strides = array<i32>} : memref<8x128xi32, #tpu.memory_space<vmem>>, vector<1x16xi32>,
    %get3A_849 = vector.shape_cast %get3A_848 : vector<1x16xi32> to vector<16xi32>
    %add3A_850 = arith.constant 6400 : i32
    %add3A_851 = arith.addi %add3A_850, %mul3A_2 : i32
    %add3A_852 = vector.broadcast %add3A_851 : i32 to vector<16xi32>
    %add3A_853 = arith.addi %mul3A_5, %add3A_852 : vector<16xi32>
    %add3A_854 = arith.addi %get3A_849, %add3A_853 : vector<16xi32>
    %swap3A_855 = arith.constant 6 : i32
    %swap3A_856 = arith.index_cast %swap3A_855 : i32 to index
    %swap3A_857 = arith.constant 32 : index
    %swap3A_858 = tpu.vector_load %arg5[%swap3A_856, %swap3A_857] {strides = array<i32>} : memref<8x128xi32, #tpu.memory_space<vmem>>, vector<1x16xi32>,
    %swap3A_859 = vector.shape_cast %swap3A_858 : vector<1x16xi32> to vector<16xi32>
    %swap3A_860 = vector.shape_cast %add3A_854 : vector<16xi32> to vector<1x16xi32>
    tpu.vector_store %arg5[%swap3A_856, %swap3A_857], %swap3A_860 {strides = array<i32>} : memref<8x128xi32, #tpu.memory_space<vmem>>, vector<1x16xi32>,
    %get3A_861 = arith.constant 6 : i32
    %get3A_862 = arith.index_cast %get3A_861 : i32 to index
    %get3A_863 = arith.constant 48 : index
    %get3A_864 = tpu.vector_load %arg6[%get3A_862, %get3A_863] {strides = array<i32>} : memref<8x128xi32, #tpu.memory_space<vmem>>, vector<1x16xi32>,
    %get3A_865 = vector.shape_cast %get3A_864 : vector<1x16xi32> to vector<16xi32>
    %add3A_866 = arith.constant 6528 : i32
    %add3A_867 = arith.addi %add3A_866, %mul3A_2 : i32
    %add3A_868 = vector.broadcast %add3A_867 : i32 to vector<16xi32>
    %add3A_869 = arith.addi %mul3A_5, %add3A_868 : vector<16xi32>
    %add3A_870 = arith.addi %get3A_865, %add3A_869 : vector<16xi32>
    %swap3A_871 = arith.constant 6 : i32
    %swap3A_872 = arith.index_cast %swap3A_871 : i32 to index
    %swap3A_873 = arith.constant 48 : index
    %swap3A_874 = tpu.vector_load %arg5[%swap3A_872, %swap3A_873] {strides = array<i32>} : memref<8x128xi32, #tpu.memory_space<vmem>>, vector<1x16xi32>,
    %swap3A_875 = vector.shape_cast %swap3A_874 : vector<1x16xi32> to vector<16xi32>
    %swap3A_876 = vector.shape_cast %add3A_870 : vector<16xi32> to vector<1x16xi32>
    tpu.vector_store %arg5[%swap3A_872, %swap3A_873], %swap3A_876 {strides = array<i32>} : memref<8x128xi32, #tpu.memory_space<vmem>>, vector<1x16xi32>,
    %get3A_877 = arith.constant 6 : i32
    %get3A_878 = arith.index_cast %get3A_877 : i32 to index
    %get3A_879 = arith.constant 64 : index
    %get3A_880 = tpu.vector_load %arg6[%get3A_878, %get3A_879] {strides = array<i32>} : memref<8x128xi32, #tpu.memory_space<vmem>>, vector<1x16xi32>,
    %get3A_881 = vector.shape_cast %get3A_880 : vector<1x16xi32> to vector<16xi32>
    %add3A_882 = arith.constant 6656 : i32
    %add3A_883 = arith.addi %add3A_882, %mul3A_2 : i32
    %add3A_884 = vector.broadcast %add3A_883 : i32 to vector<16xi32>
    %add3A_885 = arith.addi %mul3A_5, %add3A_884 : vector<16xi32>
    %add3A_886 = arith.addi %get3A_881, %add3A_885 : vector<16xi32>
    %swap3A_887 = arith.constant 6 : i32
    %swap3A_888 = arith.index_cast %swap3A_887 : i32 to index
    %swap3A_889 = arith.constant 64 : index
    %swap3A_890 = tpu.vector_load %arg5[%swap3A_888, %swap3A_889] {strides = array<i32>} : memref<8x128xi32, #tpu.memory_space<vmem>>, vector<1x16xi32>,
    %swap3A_891 = vector.shape_cast %swap3A_890 : vector<1x16xi32> to vector<16xi32>
    %swap3A_892 = vector.shape_cast %add3A_886 : vector<16xi32> to vector<1x16xi32>
    tpu.vector_store %arg5[%swap3A_888, %swap3A_889], %swap3A_892 {strides = array<i32>} : memref<8x128xi32, #tpu.memory_space<vmem>>, vector<1x16xi32>,
    %get3A_893 = arith.constant 6 : i32
    %get3A_894 = arith.index_cast %get3A_893 : i32 to index
    %get3A_895 = arith.constant 80 : index
    %get3A_896 = tpu.vector_load %arg6[%get3A_894, %get3A_895] {strides = array<i32>} : memref<8x128xi32, #tpu.memory_space<vmem>>, vector<1x16xi32>,
    %get3A_897 = vector.shape_cast %get3A_896 : vector<1x16xi32> to vector<16xi32>
    %add3A_898 = arith.constant 6784 : i32
    %add3A_899 = arith.addi %add3A_898, %mul3A_2 : i32
    %add3A_900 = vector.broadcast %add3A_899 : i32 to vector<16xi32>
    %add3A_901 = arith.addi %mul3A_5, %add3A_900 : vector<16xi32>
    %add3A_902 = arith.addi %get3A_897, %add3A_901 : vector<16xi32>
    %swap3A_903 = arith.constant 6 : i32
    %swap3A_904 = arith.index_cast %swap3A_903 : i32 to index
    %swap3A_905 = arith.constant 80 : index
    %swap3A_906 = tpu.vector_load %arg5[%swap3A_904, %swap3A_905] {strides = array<i32>} : memref<8x128xi32, #tpu.memory_space<vmem>>, vector<1x16xi32>,
    %swap3A_907 = vector.shape_cast %swap3A_906 : vector<1x16xi32> to vector<16xi32>
    %swap3A_908 = vector.shape_cast %add3A_902 : vector<16xi32> to vector<1x16xi32>
    tpu.vector_store %arg5[%swap3A_904, %swap3A_905], %swap3A_908 {strides = array<i32>} : memref<8x128xi32, #tpu.memory_space<vmem>>, vector<1x16xi32>,
    %get3A_909 = arith.constant 6 : i32
    %get3A_910 = arith.index_cast %get3A_909 : i32 to index
    %get3A_911 = arith.constant 96 : index
    %get3A_912 = tpu.vector_load %arg6[%get3A_910, %get3A_911] {strides = array<i32>} : memref<8x128xi32, #tpu.memory_space<vmem>>, vector<1x16xi32>,
    %get3A_913 = vector.shape_cast %get3A_912 : vector<1x16xi32> to vector<16xi32>
    %add3A_914 = arith.constant 6912 : i32
    %add3A_915 = arith.addi %add3A_914, %mul3A_2 : i32
    %add3A_916 = vector.broadcast %add3A_915 : i32 to vector<16xi32>
    %add3A_917 = arith.addi %mul3A_5, %add3A_916 : vector<16xi32>
    %add3A_918 = arith.addi %get3A_913, %add3A_917 : vector<16xi32>
    %swap3A_919 = arith.constant 6 : i32
    %swap3A_920 = arith.index_cast %swap3A_919 : i32 to index
    %swap3A_921 = arith.constant 96 : index
    %swap3A_922 = tpu.vector_load %arg5[%swap3A_920, %swap3A_921] {strides = array<i32>} : memref<8x128xi32, #tpu.memory_space<vmem>>, vector<1x16xi32>,
    %swap3A_923 = vector.shape_cast %swap3A_922 : vector<1x16xi32> to vector<16xi32>
    %swap3A_924 = vector.shape_cast %add3A_918 : vector<16xi32> to vector<1x16xi32>
    tpu.vector_store %arg5[%swap3A_920, %swap3A_921], %swap3A_924 {strides = array<i32>} : memref<8x128xi32, #tpu.memory_space<vmem>>, vector<1x16xi32>,
    %get3A_925 = arith.constant 6 : i32
    %get3A_926 = arith.index_cast %get3A_925 : i32 to index
    %get3A_927 = arith.constant 112 : index
    %get3A_928 = tpu.vector_load %arg6[%get3A_926, %get3A_927] {strides = array<i32>} : memref<8x128xi32, #tpu.memory_space<vmem>>, vector<1x16xi32>,
    %get3A_929 = vector.shape_cast %get3A_928 : vector<1x16xi32> to vector<16xi32>
    %add3A_930 = arith.constant 7040 : i32
    %add3A_931 = arith.addi %add3A_930, %mul3A_2 : i32
    %add3A_932 = vector.broadcast %add3A_931 : i32 to vector<16xi32>
    %add3A_933 = arith.addi %mul3A_5, %add3A_932 : vector<16xi32>
    %add3A_934 = arith.addi %get3A_929, %add3A_933 : vector<16xi32>
    %swap3A_935 = arith.constant 6 : i32
    %swap3A_936 = arith.index_cast %swap3A_935 : i32 to index
    %swap3A_937 = arith.constant 112 : index
    %swap3A_938 = tpu.vector_load %arg5[%swap3A_936, %swap3A_937] {strides = array<i32>} : memref<8x128xi32, #tpu.memory_space<vmem>>, vector<1x16xi32>,
    %swap3A_939 = vector.shape_cast %swap3A_938 : vector<1x16xi32> to vector<16xi32>
    %swap3A_940 = vector.shape_cast %add3A_934 : vector<16xi32> to vector<1x16xi32>
    tpu.vector_store %arg5[%swap3A_936, %swap3A_937], %swap3A_940 {strides = array<i32>} : memref<8x128xi32, #tpu.memory_space<vmem>>, vector<1x16xi32>,
    %dma_start3A_941 = arith.constant 6 : i32
    %dma_start3A_942 = arith.constant 0 : i32
    %dma_start3A_943 = tpu.memref_slice %arg5[%dma_start3A_941, %dma_start3A_942] : memref<8x128xi32, #tpu.memory_space<vmem>> -> memref<1x128xi32, #tpu.memory_space<vmem>>
    %dma_start3A_944 = tpu.memref_squeeze %dma_start3A_943 : memref<1x128xi32, #tpu.memory_space<vmem>> -> memref<128xi32, #tpu.memory_space<vmem>>
    %dma_start3A_945 = arith.constant 0 : i32
    %dma_start3A_946 = arith.constant 0 : i32
    %dma_start3A_947 = tpu.memref_slice %arg2[%dma_start3A_945, %dma_start3A_946] : memref<262144x128xf32, #tpu.memory_space<hbm>> -> memref<262144x128xf32, #tpu.memory_space<hbm>>
    tpu.enqueue_indirect_dma source(%dma_start3A_947 : memref<262144x128xf32, #tpu.memory_space<hbm>>) target(%arg13 : memref<128x128xf32, #tpu.memory_space<vmem>>) offsets(%dma_start3A_944 : memref<128xi32, #tpu.memory_space<vmem>>) semaphore(%arg14 : memref<!tpu.dma_semaphore, #tpu.memory_space<semaphore_mem>>)
    %get3A_948 = arith.constant 7 : i32
    %get3A_949 = arith.index_cast %get3A_948 : i32 to index
    %get3A_950 = arith.constant 0 : index
    %get3A_951 = tpu.vector_load %arg6[%get3A_949, %get3A_950] {strides = array<i32>} : memref<8x128xi32, #tpu.memory_space<vmem>>, vector<1x16xi32>,
    %get3A_952 = vector.shape_cast %get3A_951 : vector<1x16xi32> to vector<16xi32>
    %add3A_953 = arith.constant 7168 : i32
    %add3A_954 = arith.addi %add3A_953, %mul3A_2 : i32
    %add3A_955 = vector.broadcast %add3A_954 : i32 to vector<16xi32>
    %add3A_956 = arith.addi %mul3A_5, %add3A_955 : vector<16xi32>
    %add3A_957 = arith.addi %get3A_952, %add3A_956 : vector<16xi32>
    %swap3A_958 = arith.constant 7 : i32
    %swap3A_959 = arith.index_cast %swap3A_958 : i32 to index
    %swap3A_960 = arith.constant 0 : index
    %swap3A_961 = tpu.vector_load %arg5[%swap3A_959, %swap3A_960] {strides = array<i32>} : memref<8x128xi32, #tpu.memory_space<vmem>>, vector<1x16xi32>,
    %swap3A_962 = vector.shape_cast %swap3A_961 : vector<1x16xi32> to vector<16xi32>
    %swap3A_963 = vector.shape_cast %add3A_957 : vector<16xi32> to vector<1x16xi32>
    tpu.vector_store %arg5[%swap3A_959, %swap3A_960], %swap3A_963 {strides = array<i32>} : memref<8x128xi32, #tpu.memory_space<vmem>>, vector<1x16xi32>,
    %get3A_964 = arith.constant 7 : i32
    %get3A_965 = arith.index_cast %get3A_964 : i32 to index
    %get3A_966 = arith.constant 16 : index
    %get3A_967 = tpu.vector_load %arg6[%get3A_965, %get3A_966] {strides = array<i32>} : memref<8x128xi32, #tpu.memory_space<vmem>>, vector<1x16xi32>,
    %get3A_968 = vector.shape_cast %get3A_967 : vector<1x16xi32> to vector<16xi32>
    %add3A_969 = arith.constant 7296 : i32
    %add3A_970 = arith.addi %add3A_969, %mul3A_2 : i32
    %add3A_971 = vector.broadcast %add3A_970 : i32 to vector<16xi32>
    %add3A_972 = arith.addi %mul3A_5, %add3A_971 : vector<16xi32>
    %add3A_973 = arith.addi %get3A_968, %add3A_972 : vector<16xi32>
    %swap3A_974 = arith.constant 7 : i32
    %swap3A_975 = arith.index_cast %swap3A_974 : i32 to index
    %swap3A_976 = arith.constant 16 : index
    %swap3A_977 = tpu.vector_load %arg5[%swap3A_975, %swap3A_976] {strides = array<i32>} : memref<8x128xi32, #tpu.memory_space<vmem>>, vector<1x16xi32>,
    %swap3A_978 = vector.shape_cast %swap3A_977 : vector<1x16xi32> to vector<16xi32>
    %swap3A_979 = vector.shape_cast %add3A_973 : vector<16xi32> to vector<1x16xi32>
    tpu.vector_store %arg5[%swap3A_975, %swap3A_976], %swap3A_979 {strides = array<i32>} : memref<8x128xi32, #tpu.memory_space<vmem>>, vector<1x16xi32>,
    %get3A_980 = arith.constant 7 : i32
    %get3A_981 = arith.index_cast %get3A_980 : i32 to index
    %get3A_982 = arith.constant 32 : index
    %get3A_983 = tpu.vector_load %arg6[%get3A_981, %get3A_982] {strides = array<i32>} : memref<8x128xi32, #tpu.memory_space<vmem>>, vector<1x16xi32>,
    %get3A_984 = vector.shape_cast %get3A_983 : vector<1x16xi32> to vector<16xi32>
    %add3A_985 = arith.constant 7424 : i32
    %add3A_986 = arith.addi %add3A_985, %mul3A_2 : i32
    %add3A_987 = vector.broadcast %add3A_986 : i32 to vector<16xi32>
    %add3A_988 = arith.addi %mul3A_5, %add3A_987 : vector<16xi32>
    %add3A_989 = arith.addi %get3A_984, %add3A_988 : vector<16xi32>
    %swap3A_990 = arith.constant 7 : i32
    %swap3A_991 = arith.index_cast %swap3A_990 : i32 to index
    %swap3A_992 = arith.constant 32 : index
    %swap3A_993 = tpu.vector_load %arg5[%swap3A_991, %swap3A_992] {strides = array<i32>} : memref<8x128xi32, #tpu.memory_space<vmem>>, vector<1x16xi32>,
    %swap3A_994 = vector.shape_cast %swap3A_993 : vector<1x16xi32> to vector<16xi32>
    %swap3A_995 = vector.shape_cast %add3A_989 : vector<16xi32> to vector<1x16xi32>
    tpu.vector_store %arg5[%swap3A_991, %swap3A_992], %swap3A_995 {strides = array<i32>} : memref<8x128xi32, #tpu.memory_space<vmem>>, vector<1x16xi32>,
    %get3A_996 = arith.constant 7 : i32
    %get3A_997 = arith.index_cast %get3A_996 : i32 to index
    %get3A_998 = arith.constant 48 : index
    %get3A_999 = tpu.vector_load %arg6[%get3A_997, %get3A_998] {strides = array<i32>} : memref<8x128xi32, #tpu.memory_space<vmem>>, vector<1x16xi32>,
    %get3A_1000 = vector.shape_cast %get3A_999 : vector<1x16xi32> to vector<16xi32>
    %add3A_1001 = arith.constant 7552 : i32
    %add3A_1002 = arith.addi %add3A_1001, %mul3A_2 : i32
    %add3A_1003 = vector.broadcast %add3A_1002 : i32 to vector<16xi32>
    %add3A_1004 = arith.addi %mul3A_5, %add3A_1003 : vector<16xi32>
    %add3A_1005 = arith.addi %get3A_1000, %add3A_1004 : vector<16xi32>
    %swap3A_1006 = arith.constant 7 : i32
    %swap3A_1007 = arith.index_cast %swap3A_1006 : i32 to index
    %swap3A_1008 = arith.constant 48 : index
    %swap3A_1009 = tpu.vector_load %arg5[%swap3A_1007, %swap3A_1008] {strides = array<i32>} : memref<8x128xi32, #tpu.memory_space<vmem>>, vector<1x16xi32>,
    %swap3A_1010 = vector.shape_cast %swap3A_1009 : vector<1x16xi32> to vector<16xi32>
    %swap3A_1011 = vector.shape_cast %add3A_1005 : vector<16xi32> to vector<1x16xi32>
    tpu.vector_store %arg5[%swap3A_1007, %swap3A_1008], %swap3A_1011 {strides = array<i32>} : memref<8x128xi32, #tpu.memory_space<vmem>>, vector<1x16xi32>,
    %get3A_1012 = arith.constant 7 : i32
    %get3A_1013 = arith.index_cast %get3A_1012 : i32 to index
    %get3A_1014 = arith.constant 64 : index
    %get3A_1015 = tpu.vector_load %arg6[%get3A_1013, %get3A_1014] {strides = array<i32>} : memref<8x128xi32, #tpu.memory_space<vmem>>, vector<1x16xi32>,
    %get3A_1016 = vector.shape_cast %get3A_1015 : vector<1x16xi32> to vector<16xi32>
    %add3A_1017 = arith.constant 7680 : i32
    %add3A_1018 = arith.addi %add3A_1017, %mul3A_2 : i32
    %add3A_1019 = vector.broadcast %add3A_1018 : i32 to vector<16xi32>
    %add3A_1020 = arith.addi %mul3A_5, %add3A_1019 : vector<16xi32>
    %add3A_1021 = arith.addi %get3A_1016, %add3A_1020 : vector<16xi32>
    %swap3A_1022 = arith.constant 7 : i32
    %swap3A_1023 = arith.index_cast %swap3A_1022 : i32 to index
    %swap3A_1024 = arith.constant 64 : index
    %swap3A_1025 = tpu.vector_load %arg5[%swap3A_1023, %swap3A_1024] {strides = array<i32>} : memref<8x128xi32, #tpu.memory_space<vmem>>, vector<1x16xi32>,
    %swap3A_1026 = vector.shape_cast %swap3A_1025 : vector<1x16xi32> to vector<16xi32>
    %swap3A_1027 = vector.shape_cast %add3A_1021 : vector<16xi32> to vector<1x16xi32>
    tpu.vector_store %arg5[%swap3A_1023, %swap3A_1024], %swap3A_1027 {strides = array<i32>} : memref<8x128xi32, #tpu.memory_space<vmem>>, vector<1x16xi32>,
    %get3A_1028 = arith.constant 7 : i32
    %get3A_1029 = arith.index_cast %get3A_1028 : i32 to index
    %get3A_1030 = arith.constant 80 : index
    %get3A_1031 = tpu.vector_load %arg6[%get3A_1029, %get3A_1030] {strides = array<i32>} : memref<8x128xi32, #tpu.memory_space<vmem>>, vector<1x16xi32>,
    %get3A_1032 = vector.shape_cast %get3A_1031 : vector<1x16xi32> to vector<16xi32>
    %add3A_1033 = arith.constant 7808 : i32
    %add3A_1034 = arith.addi %add3A_1033, %mul3A_2 : i32
    %add3A_1035 = vector.broadcast %add3A_1034 : i32 to vector<16xi32>
    %add3A_1036 = arith.addi %mul3A_5, %add3A_1035 : vector<16xi32>
    %add3A_1037 = arith.addi %get3A_1032, %add3A_1036 : vector<16xi32>
    %swap3A_1038 = arith.constant 7 : i32
    %swap3A_1039 = arith.index_cast %swap3A_1038 : i32 to index
    %swap3A_1040 = arith.constant 80 : index
    %swap3A_1041 = tpu.vector_load %arg5[%swap3A_1039, %swap3A_1040] {strides = array<i32>} : memref<8x128xi32, #tpu.memory_space<vmem>>, vector<1x16xi32>,
    %swap3A_1042 = vector.shape_cast %swap3A_1041 : vector<1x16xi32> to vector<16xi32>
    %swap3A_1043 = vector.shape_cast %add3A_1037 : vector<16xi32> to vector<1x16xi32>
    tpu.vector_store %arg5[%swap3A_1039, %swap3A_1040], %swap3A_1043 {strides = array<i32>} : memref<8x128xi32, #tpu.memory_space<vmem>>, vector<1x16xi32>,
    %get3A_1044 = arith.constant 7 : i32
    %get3A_1045 = arith.index_cast %get3A_1044 : i32 to index
    %get3A_1046 = arith.constant 96 : index
    %get3A_1047 = tpu.vector_load %arg6[%get3A_1045, %get3A_1046] {strides = array<i32>} : memref<8x128xi32, #tpu.memory_space<vmem>>, vector<1x16xi32>,
    %get3A_1048 = vector.shape_cast %get3A_1047 : vector<1x16xi32> to vector<16xi32>
    %add3A_1049 = arith.constant 7936 : i32
    %add3A_1050 = arith.addi %add3A_1049, %mul3A_2 : i32
    %add3A_1051 = vector.broadcast %add3A_1050 : i32 to vector<16xi32>
    %add3A_1052 = arith.addi %mul3A_5, %add3A_1051 : vector<16xi32>
    %add3A_1053 = arith.addi %get3A_1048, %add3A_1052 : vector<16xi32>
    %swap3A_1054 = arith.constant 7 : i32
    %swap3A_1055 = arith.index_cast %swap3A_1054 : i32 to index
    %swap3A_1056 = arith.constant 96 : index
    %swap3A_1057 = tpu.vector_load %arg5[%swap3A_1055, %swap3A_1056] {strides = array<i32>} : memref<8x128xi32, #tpu.memory_space<vmem>>, vector<1x16xi32>,
    %swap3A_1058 = vector.shape_cast %swap3A_1057 : vector<1x16xi32> to vector<16xi32>
    %swap3A_1059 = vector.shape_cast %add3A_1053 : vector<16xi32> to vector<1x16xi32>
    tpu.vector_store %arg5[%swap3A_1055, %swap3A_1056], %swap3A_1059 {strides = array<i32>} : memref<8x128xi32, #tpu.memory_space<vmem>>, vector<1x16xi32>,
    %get3A_1060 = arith.constant 7 : i32
    %get3A_1061 = arith.index_cast %get3A_1060 : i32 to index
    %get3A_1062 = arith.constant 112 : index
    %get3A_1063 = tpu.vector_load %arg6[%get3A_1061, %get3A_1062] {strides = array<i32>} : memref<8x128xi32, #tpu.memory_space<vmem>>, vector<1x16xi32>,
    %get3A_1064 = vector.shape_cast %get3A_1063 : vector<1x16xi32> to vector<16xi32>
    %add3A_1065 = arith.constant 8064 : i32
    %add3A_1066 = arith.addi %add3A_1065, %mul3A_2 : i32
    %add3A_1067 = vector.broadcast %add3A_1066 : i32 to vector<16xi32>
    %add3A_1068 = arith.addi %mul3A_5, %add3A_1067 : vector<16xi32>
    %add3A_1069 = arith.addi %get3A_1064, %add3A_1068 : vector<16xi32>
    %swap3A_1070 = arith.constant 7 : i32
    %swap3A_1071 = arith.index_cast %swap3A_1070 : i32 to index
    %swap3A_1072 = arith.constant 112 : index
    %swap3A_1073 = tpu.vector_load %arg5[%swap3A_1071, %swap3A_1072] {strides = array<i32>} : memref<8x128xi32, #tpu.memory_space<vmem>>, vector<1x16xi32>,
    %swap3A_1074 = vector.shape_cast %swap3A_1073 : vector<1x16xi32> to vector<16xi32>
    %swap3A_1075 = vector.shape_cast %add3A_1069 : vector<16xi32> to vector<1x16xi32>
    tpu.vector_store %arg5[%swap3A_1071, %swap3A_1072], %swap3A_1075 {strides = array<i32>} : memref<8x128xi32, #tpu.memory_space<vmem>>, vector<1x16xi32>,
    %dma_wait3A = arith.constant 0 : i32
    %dma_wait3A_1076 = arith.constant 0 : i32
    %dma_wait3A_1077 = tpu.memref_slice %arg5[%dma_wait3A, %dma_wait3A_1076] : memref<8x128xi32, #tpu.memory_space<vmem>> -> memref<1x128xi32, #tpu.memory_space<vmem>>
    %dma_wait3A_1078 = tpu.memref_squeeze %dma_wait3A_1077 : memref<1x128xi32, #tpu.memory_space<vmem>> -> memref<128xi32, #tpu.memory_space<vmem>>
    %dma_wait3A_1079 = arith.constant 0 : i32
    %dma_wait3A_1080 = arith.constant 0 : i32
    %dma_wait3A_1081 = tpu.memref_slice %arg2[%dma_wait3A_1079, %dma_wait3A_1080] : memref<262144x128xf32, #tpu.memory_space<hbm>> -> memref<262144x128xf32, #tpu.memory_space<hbm>>
    tpu.wait_indirect_dma semaphore(%arg14 : memref<!tpu.dma_semaphore, #tpu.memory_space<semaphore_mem>>) src(%dma_wait3A_1081 : memref<262144x128xf32, #tpu.memory_space<hbm>>) dst(%arg7 : memref<128x128xf32, #tpu.memory_space<vmem>>)
    %mul3A_1082 = arith.constant 1024 : i32
    %mul3A_1083 = arith.muli %add3A, %mul3A_1082 : i32
    %add3A_1084 = arith.constant 0 : i32
    %add3A_1085 = arith.addi %mul3A_1083, %add3A_1084 : i32
    %dma_start3A_1086 = arith.constant 0 : i32
    %dma_start3A_1087 = tpu.memref_slice %arg4[%add3A_1085, %dma_start3A_1086] : memref<32768x128xf32, #tpu.memory_space<hbm>> -> memref<128x128xf32, #tpu.memory_space<hbm>>
    %dma_start3A_1088 = arith.constant 0 : i32
    %dma_start3A_1089 = tpu.memref_slice %arg4[%add3A_1085, %dma_start3A_1088] : memref<32768x128xf32, #tpu.memory_space<hbm>> -> memref<128x128xf32, #tpu.memory_space<hbm>>
    tpu.enqueue_dma source(%arg7 : memref<128x128xf32, #tpu.memory_space<vmem>>) target(%dma_start3A_1089 : memref<128x128xf32, #tpu.memory_space<hbm>>) target_semaphore(%arg15 : memref<!tpu.dma_semaphore, #tpu.memory_space<semaphore_mem>>)
    %dma_wait3A_1090 = arith.constant 0 : i32
    %dma_wait3A_1091 = tpu.memref_slice %arg4[%add3A_1085, %dma_wait3A_1090] : memref<32768x128xf32, #tpu.memory_space<hbm>> -> memref<128x128xf32, #tpu.memory_space<hbm>>
    %dma_wait3A_1092 = arith.constant 0 : i32
    %dma_wait3A_1093 = tpu.memref_slice %arg4[%add3A_1085, %dma_wait3A_1092] : memref<32768x128xf32, #tpu.memory_space<hbm>> -> memref<128x128xf32, #tpu.memory_space<hbm>>
    tpu.wait_dma2 semaphore(%arg15 : memref<!tpu.dma_semaphore, #tpu.memory_space<semaphore_mem>>) src(%arg7 : memref<128x128xf32, #tpu.memory_space<vmem>>) dst(%dma_wait3A_1093 : memref<128x128xf32, #tpu.memory_space<hbm>>)
    %dma_start3A_1094 = arith.constant 7 : i32
    %dma_start3A_1095 = arith.constant 0 : i32
    %dma_start3A_1096 = tpu.memref_slice %arg5[%dma_start3A_1094, %dma_start3A_1095] : memref<8x128xi32, #tpu.memory_space<vmem>> -> memref<1x128xi32, #tpu.memory_space<vmem>>
    %dma_start3A_1097 = tpu.memref_squeeze %dma_start3A_1096 : memref<1x128xi32, #tpu.memory_space<vmem>> -> memref<128xi32, #tpu.memory_space<vmem>>
    %dma_start3A_1098 = arith.constant 0 : i32
    %dma_start3A_1099 = arith.constant 0 : i32
    %dma_start3A_1100 = tpu.memref_slice %arg2[%dma_start3A_1098, %dma_start3A_1099] : memref<262144x128xf32, #tpu.memory_space<hbm>> -> memref<262144x128xf32, #tpu.memory_space<hbm>>
    tpu.enqueue_indirect_dma source(%dma_start3A_1100 : memref<262144x128xf32, #tpu.memory_space<hbm>>) target(%arg7 : memref<128x128xf32, #tpu.memory_space<vmem>>) offsets(%dma_start3A_1097 : memref<128xi32, #tpu.memory_space<vmem>>) semaphore(%arg14 : memref<!tpu.dma_semaphore, #tpu.memory_space<semaphore_mem>>)
    %dma_wait3A_1101 = arith.constant 1 : i32
    %dma_wait3A_1102 = arith.constant 0 : i32
    %dma_wait3A_1103 = tpu.memref_slice %arg5[%dma_wait3A_1101, %dma_wait3A_1102] : memref<8x128xi32, #tpu.memory_space<vmem>> -> memref<1x128xi32, #tpu.memory_space<vmem>>
    %dma_wait3A_1104 = tpu.memref_squeeze %dma_wait3A_1103 : memref<1x128xi32, #tpu.memory_space<vmem>> -> memref<128xi32, #tpu.memory_space<vmem>>
    %dma_wait3A_1105 = arith.constant 0 : i32
    %dma_wait3A_1106 = arith.constant 0 : i32
    %dma_wait3A_1107 = tpu.memref_slice %arg2[%dma_wait3A_1105, %dma_wait3A_1106] : memref<262144x128xf32, #tpu.memory_space<hbm>> -> memref<262144x128xf32, #tpu.memory_space<hbm>>
    tpu.wait_indirect_dma semaphore(%arg14 : memref<!tpu.dma_semaphore, #tpu.memory_space<semaphore_mem>>) src(%dma_wait3A_1107 : memref<262144x128xf32, #tpu.memory_space<hbm>>) dst(%arg8 : memref<128x128xf32, #tpu.memory_space<vmem>>)
    %mul3A_1108 = arith.constant 1024 : i32
    %mul3A_1109 = arith.muli %add3A, %mul3A_1108 : i32
    %add3A_1110 = arith.constant 128 : i32
    %add3A_1111 = arith.addi %mul3A_1109, %add3A_1110 : i32
    %dma_start3A_1112 = arith.constant 0 : i32
    %dma_start3A_1113 = tpu.memref_slice %arg4[%add3A_1111, %dma_start3A_1112] : memref<32768x128xf32, #tpu.memory_space<hbm>> -> memref<128x128xf32, #tpu.memory_space<hbm>>
    %dma_start3A_1114 = arith.constant 0 : i32
    %dma_start3A_1115 = tpu.memref_slice %arg4[%add3A_1111, %dma_start3A_1114] : memref<32768x128xf32, #tpu.memory_space<hbm>> -> memref<128x128xf32, #tpu.memory_space<hbm>>
    tpu.enqueue_dma source(%arg8 : memref<128x128xf32, #tpu.memory_space<vmem>>) target(%dma_start3A_1115 : memref<128x128xf32, #tpu.memory_space<hbm>>) target_semaphore(%arg15 : memref<!tpu.dma_semaphore, #tpu.memory_space<semaphore_mem>>)
    %dma_wait3A_1116 = arith.constant 2 : i32
    %dma_wait3A_1117 = arith.constant 0 : i32
    %dma_wait3A_1118 = tpu.memref_slice %arg5[%dma_wait3A_1116, %dma_wait3A_1117] : memref<8x128xi32, #tpu.memory_space<vmem>> -> memref<1x128xi32, #tpu.memory_space<vmem>>
    %dma_wait3A_1119 = tpu.memref_squeeze %dma_wait3A_1118 : memref<1x128xi32, #tpu.memory_space<vmem>> -> memref<128xi32, #tpu.memory_space<vmem>>
    %dma_wait3A_1120 = arith.constant 0 : i32
    %dma_wait3A_1121 = arith.constant 0 : i32
    %dma_wait3A_1122 = tpu.memref_slice %arg2[%dma_wait3A_1120, %dma_wait3A_1121] : memref<262144x128xf32, #tpu.memory_space<hbm>> -> memref<262144x128xf32, #tpu.memory_space<hbm>>
    tpu.wait_indirect_dma semaphore(%arg14 : memref<!tpu.dma_semaphore, #tpu.memory_space<semaphore_mem>>) src(%dma_wait3A_1122 : memref<262144x128xf32, #tpu.memory_space<hbm>>) dst(%arg9 : memref<128x128xf32, #tpu.memory_space<vmem>>)
    %mul3A_1123 = arith.constant 1024 : i32
    %mul3A_1124 = arith.muli %add3A, %mul3A_1123 : i32
    %add3A_1125 = arith.constant 256 : i32
    %add3A_1126 = arith.addi %mul3A_1124, %add3A_1125 : i32
    %dma_start3A_1127 = arith.constant 0 : i32
    %dma_start3A_1128 = tpu.memref_slice %arg4[%add3A_1126, %dma_start3A_1127] : memref<32768x128xf32, #tpu.memory_space<hbm>> -> memref<128x128xf32, #tpu.memory_space<hbm>>
    %dma_start3A_1129 = arith.constant 0 : i32
    %dma_start3A_1130 = tpu.memref_slice %arg4[%add3A_1126, %dma_start3A_1129] : memref<32768x128xf32, #tpu.memory_space<hbm>> -> memref<128x128xf32, #tpu.memory_space<hbm>>
    tpu.enqueue_dma source(%arg9 : memref<128x128xf32, #tpu.memory_space<vmem>>) target(%dma_start3A_1130 : memref<128x128xf32, #tpu.memory_space<hbm>>) target_semaphore(%arg15 : memref<!tpu.dma_semaphore, #tpu.memory_space<semaphore_mem>>)
    %dma_wait3A_1131 = arith.constant 3 : i32
    %dma_wait3A_1132 = arith.constant 0 : i32
    %dma_wait3A_1133 = tpu.memref_slice %arg5[%dma_wait3A_1131, %dma_wait3A_1132] : memref<8x128xi32, #tpu.memory_space<vmem>> -> memref<1x128xi32, #tpu.memory_space<vmem>>
    %dma_wait3A_1134 = tpu.memref_squeeze %dma_wait3A_1133 : memref<1x128xi32, #tpu.memory_space<vmem>> -> memref<128xi32, #tpu.memory_space<vmem>>
    %dma_wait3A_1135 = arith.constant 0 : i32
    %dma_wait3A_1136 = arith.constant 0 : i32
    %dma_wait3A_1137 = tpu.memref_slice %arg2[%dma_wait3A_1135, %dma_wait3A_1136] : memref<262144x128xf32, #tpu.memory_space<hbm>> -> memref<262144x128xf32, #tpu.memory_space<hbm>>
    tpu.wait_indirect_dma semaphore(%arg14 : memref<!tpu.dma_semaphore, #tpu.memory_space<semaphore_mem>>) src(%dma_wait3A_1137 : memref<262144x128xf32, #tpu.memory_space<hbm>>) dst(%arg10 : memref<128x128xf32, #tpu.memory_space<vmem>>)
    %mul3A_1138 = arith.constant 1024 : i32
    %mul3A_1139 = arith.muli %add3A, %mul3A_1138 : i32
    %add3A_1140 = arith.constant 384 : i32
    %add3A_1141 = arith.addi %mul3A_1139, %add3A_1140 : i32
    %dma_start3A_1142 = arith.constant 0 : i32
    %dma_start3A_1143 = tpu.memref_slice %arg4[%add3A_1141, %dma_start3A_1142] : memref<32768x128xf32, #tpu.memory_space<hbm>> -> memref<128x128xf32, #tpu.memory_space<hbm>>
    %dma_start3A_1144 = arith.constant 0 : i32
    %dma_start3A_1145 = tpu.memref_slice %arg4[%add3A_1141, %dma_start3A_1144] : memref<32768x128xf32, #tpu.memory_space<hbm>> -> memref<128x128xf32, #tpu.memory_space<hbm>>
    tpu.enqueue_dma source(%arg10 : memref<128x128xf32, #tpu.memory_space<vmem>>) target(%dma_start3A_1145 : memref<128x128xf32, #tpu.memory_space<hbm>>) target_semaphore(%arg15 : memref<!tpu.dma_semaphore, #tpu.memory_space<semaphore_mem>>)
    %dma_wait3A_1146 = arith.constant 4 : i32
    %dma_wait3A_1147 = arith.constant 0 : i32
    %dma_wait3A_1148 = tpu.memref_slice %arg5[%dma_wait3A_1146, %dma_wait3A_1147] : memref<8x128xi32, #tpu.memory_space<vmem>> -> memref<1x128xi32, #tpu.memory_space<vmem>>
    %dma_wait3A_1149 = tpu.memref_squeeze %dma_wait3A_1148 : memref<1x128xi32, #tpu.memory_space<vmem>> -> memref<128xi32, #tpu.memory_space<vmem>>
    %dma_wait3A_1150 = arith.constant 0 : i32
    %dma_wait3A_1151 = arith.constant 0 : i32
    %dma_wait3A_1152 = tpu.memref_slice %arg2[%dma_wait3A_1150, %dma_wait3A_1151] : memref<262144x128xf32, #tpu.memory_space<hbm>> -> memref<262144x128xf32, #tpu.memory_space<hbm>>
    tpu.wait_indirect_dma semaphore(%arg14 : memref<!tpu.dma_semaphore, #tpu.memory_space<semaphore_mem>>) src(%dma_wait3A_1152 : memref<262144x128xf32, #tpu.memory_space<hbm>>) dst(%arg11 : memref<128x128xf32, #tpu.memory_space<vmem>>)
    %mul3A_1153 = arith.constant 1024 : i32
    %mul3A_1154 = arith.muli %add3A, %mul3A_1153 : i32
    %add3A_1155 = arith.constant 512 : i32
    %add3A_1156 = arith.addi %mul3A_1154, %add3A_1155 : i32
    %dma_start3A_1157 = arith.constant 0 : i32
    %dma_start3A_1158 = tpu.memref_slice %arg4[%add3A_1156, %dma_start3A_1157] : memref<32768x128xf32, #tpu.memory_space<hbm>> -> memref<128x128xf32, #tpu.memory_space<hbm>>
    %dma_start3A_1159 = arith.constant 0 : i32
    %dma_start3A_1160 = tpu.memref_slice %arg4[%add3A_1156, %dma_start3A_1159] : memref<32768x128xf32, #tpu.memory_space<hbm>> -> memref<128x128xf32, #tpu.memory_space<hbm>>
    tpu.enqueue_dma source(%arg11 : memref<128x128xf32, #tpu.memory_space<vmem>>) target(%dma_start3A_1160 : memref<128x128xf32, #tpu.memory_space<hbm>>) target_semaphore(%arg15 : memref<!tpu.dma_semaphore, #tpu.memory_space<semaphore_mem>>)
    %dma_wait3A_1161 = arith.constant 5 : i32
    %dma_wait3A_1162 = arith.constant 0 : i32
    %dma_wait3A_1163 = tpu.memref_slice %arg5[%dma_wait3A_1161, %dma_wait3A_1162] : memref<8x128xi32, #tpu.memory_space<vmem>> -> memref<1x128xi32, #tpu.memory_space<vmem>>
    %dma_wait3A_1164 = tpu.memref_squeeze %dma_wait3A_1163 : memref<1x128xi32, #tpu.memory_space<vmem>> -> memref<128xi32, #tpu.memory_space<vmem>>
    %dma_wait3A_1165 = arith.constant 0 : i32
    %dma_wait3A_1166 = arith.constant 0 : i32
    %dma_wait3A_1167 = tpu.memref_slice %arg2[%dma_wait3A_1165, %dma_wait3A_1166] : memref<262144x128xf32, #tpu.memory_space<hbm>> -> memref<262144x128xf32, #tpu.memory_space<hbm>>
    tpu.wait_indirect_dma semaphore(%arg14 : memref<!tpu.dma_semaphore, #tpu.memory_space<semaphore_mem>>) src(%dma_wait3A_1167 : memref<262144x128xf32, #tpu.memory_space<hbm>>) dst(%arg12 : memref<128x128xf32, #tpu.memory_space<vmem>>)
    %mul3A_1168 = arith.constant 1024 : i32
    %mul3A_1169 = arith.muli %add3A, %mul3A_1168 : i32
    %add3A_1170 = arith.constant 640 : i32
    %add3A_1171 = arith.addi %mul3A_1169, %add3A_1170 : i32
    %dma_start3A_1172 = arith.constant 0 : i32
    %dma_start3A_1173 = tpu.memref_slice %arg4[%add3A_1171, %dma_start3A_1172] : memref<32768x128xf32, #tpu.memory_space<hbm>> -> memref<128x128xf32, #tpu.memory_space<hbm>>
    %dma_start3A_1174 = arith.constant 0 : i32
    %dma_start3A_1175 = tpu.memref_slice %arg4[%add3A_1171, %dma_start3A_1174] : memref<32768x128xf32, #tpu.memory_space<hbm>> -> memref<128x128xf32, #tpu.memory_space<hbm>>
    tpu.enqueue_dma source(%arg12 : memref<128x128xf32, #tpu.memory_space<vmem>>) target(%dma_start3A_1175 : memref<128x128xf32, #tpu.memory_space<hbm>>) target_semaphore(%arg15 : memref<!tpu.dma_semaphore, #tpu.memory_space<semaphore_mem>>)
    %dma_wait3A_1176 = arith.constant 6 : i32
    %dma_wait3A_1177 = arith.constant 0 : i32
    %dma_wait3A_1178 = tpu.memref_slice %arg5[%dma_wait3A_1176, %dma_wait3A_1177] : memref<8x128xi32, #tpu.memory_space<vmem>> -> memref<1x128xi32, #tpu.memory_space<vmem>>
    %dma_wait3A_1179 = tpu.memref_squeeze %dma_wait3A_1178 : memref<1x128xi32, #tpu.memory_space<vmem>> -> memref<128xi32, #tpu.memory_space<vmem>>
    %dma_wait3A_1180 = arith.constant 0 : i32
    %dma_wait3A_1181 = arith.constant 0 : i32
    %dma_wait3A_1182 = tpu.memref_slice %arg2[%dma_wait3A_1180, %dma_wait3A_1181] : memref<262144x128xf32, #tpu.memory_space<hbm>> -> memref<262144x128xf32, #tpu.memory_space<hbm>>
    tpu.wait_indirect_dma semaphore(%arg14 : memref<!tpu.dma_semaphore, #tpu.memory_space<semaphore_mem>>) src(%dma_wait3A_1182 : memref<262144x128xf32, #tpu.memory_space<hbm>>) dst(%arg13 : memref<128x128xf32, #tpu.memory_space<vmem>>)
    %mul3A_1183 = arith.constant 1024 : i32
    %mul3A_1184 = arith.muli %add3A, %mul3A_1183 : i32
    %add3A_1185 = arith.constant 768 : i32
    %add3A_1186 = arith.addi %mul3A_1184, %add3A_1185 : i32
    %dma_start3A_1187 = arith.constant 0 : i32
    %dma_start3A_1188 = tpu.memref_slice %arg4[%add3A_1186, %dma_start3A_1187] : memref<32768x128xf32, #tpu.memory_space<hbm>> -> memref<128x128xf32, #tpu.memory_space<hbm>>
    %dma_start3A_1189 = arith.constant 0 : i32
    %dma_start3A_1190 = tpu.memref_slice %arg4[%add3A_1186, %dma_start3A_1189] : memref<32768x128xf32, #tpu.memory_space<hbm>> -> memref<128x128xf32, #tpu.memory_space<hbm>>
    tpu.enqueue_dma source(%arg13 : memref<128x128xf32, #tpu.memory_space<vmem>>) target(%dma_start3A_1190 : memref<128x128xf32, #tpu.memory_space<hbm>>) target_semaphore(%arg15 : memref<!tpu.dma_semaphore, #tpu.memory_space<semaphore_mem>>)
    %dma_wait3A_1191 = arith.constant 7 : i32
    %dma_wait3A_1192 = arith.constant 0 : i32
    %dma_wait3A_1193 = tpu.memref_slice %arg5[%dma_wait3A_1191, %dma_wait3A_1192] : memref<8x128xi32, #tpu.memory_space<vmem>> -> memref<1x128xi32, #tpu.memory_space<vmem>>
    %dma_wait3A_1194 = tpu.memref_squeeze %dma_wait3A_1193 : memref<1x128xi32, #tpu.memory_space<vmem>> -> memref<128xi32, #tpu.memory_space<vmem>>
    %dma_wait3A_1195 = arith.constant 0 : i32
    %dma_wait3A_1196 = arith.constant 0 : i32
    %dma_wait3A_1197 = tpu.memref_slice %arg2[%dma_wait3A_1195, %dma_wait3A_1196] : memref<262144x128xf32, #tpu.memory_space<hbm>> -> memref<262144x128xf32, #tpu.memory_space<hbm>>
    tpu.wait_indirect_dma semaphore(%arg14 : memref<!tpu.dma_semaphore, #tpu.memory_space<semaphore_mem>>) src(%dma_wait3A_1197 : memref<262144x128xf32, #tpu.memory_space<hbm>>) dst(%arg7 : memref<128x128xf32, #tpu.memory_space<vmem>>)
    %mul3A_1198 = arith.constant 1024 : i32
    %mul3A_1199 = arith.muli %add3A, %mul3A_1198 : i32
    %add3A_1200 = arith.constant 896 : i32
    %add3A_1201 = arith.addi %mul3A_1199, %add3A_1200 : i32
    %dma_start3A_1202 = arith.constant 0 : i32
    %dma_start3A_1203 = tpu.memref_slice %arg4[%add3A_1201, %dma_start3A_1202] : memref<32768x128xf32, #tpu.memory_space<hbm>> -> memref<128x128xf32, #tpu.memory_space<hbm>>
    %dma_start3A_1204 = arith.constant 0 : i32
    %dma_start3A_1205 = tpu.memref_slice %arg4[%add3A_1201, %dma_start3A_1204] : memref<32768x128xf32, #tpu.memory_space<hbm>> -> memref<128x128xf32, #tpu.memory_space<hbm>>
    tpu.enqueue_dma source(%arg7 : memref<128x128xf32, #tpu.memory_space<vmem>>) target(%dma_start3A_1205 : memref<128x128xf32, #tpu.memory_space<hbm>>) target_semaphore(%arg15 : memref<!tpu.dma_semaphore, #tpu.memory_space<semaphore_mem>>)
    %dma_wait3A_1206 = arith.constant 0 : i32
    %dma_wait3A_1207 = tpu.memref_slice %arg4[%add3A_1111, %dma_wait3A_1206] : memref<32768x128xf32, #tpu.memory_space<hbm>> -> memref<128x128xf32, #tpu.memory_space<hbm>>
    %dma_wait3A_1208 = arith.constant 0 : i32
    %dma_wait3A_1209 = tpu.memref_slice %arg4[%add3A_1111, %dma_wait3A_1208] : memref<32768x128xf32, #tpu.memory_space<hbm>> -> memref<128x128xf32, #tpu.memory_space<hbm>>
    tpu.wait_dma2 semaphore(%arg15 : memref<!tpu.dma_semaphore, #tpu.memory_space<semaphore_mem>>) src(%arg8 : memref<128x128xf32, #tpu.memory_space<vmem>>) dst(%dma_wait3A_1209 : memref<128x128xf32, #tpu.memory_space<hbm>>)
    %dma_wait3A_1210 = arith.constant 0 : i32
    %dma_wait3A_1211 = tpu.memref_slice %arg4[%add3A_1126, %dma_wait3A_1210] : memref<32768x128xf32, #tpu.memory_space<hbm>> -> memref<128x128xf32, #tpu.memory_space<hbm>>
    %dma_wait3A_1212 = arith.constant 0 : i32
    %dma_wait3A_1213 = tpu.memref_slice %arg4[%add3A_1126, %dma_wait3A_1212] : memref<32768x128xf32, #tpu.memory_space<hbm>> -> memref<128x128xf32, #tpu.memory_space<hbm>>
    tpu.wait_dma2 semaphore(%arg15 : memref<!tpu.dma_semaphore, #tpu.memory_space<semaphore_mem>>) src(%arg9 : memref<128x128xf32, #tpu.memory_space<vmem>>) dst(%dma_wait3A_1213 : memref<128x128xf32, #tpu.memory_space<hbm>>)
    %dma_wait3A_1214 = arith.constant 0 : i32
    %dma_wait3A_1215 = tpu.memref_slice %arg4[%add3A_1141, %dma_wait3A_1214] : memref<32768x128xf32, #tpu.memory_space<hbm>> -> memref<128x128xf32, #tpu.memory_space<hbm>>
    %dma_wait3A_1216 = arith.constant 0 : i32
    %dma_wait3A_1217 = tpu.memref_slice %arg4[%add3A_1141, %dma_wait3A_1216] : memref<32768x128xf32, #tpu.memory_space<hbm>> -> memref<128x128xf32, #tpu.memory_space<hbm>>
    tpu.wait_dma2 semaphore(%arg15 : memref<!tpu.dma_semaphore, #tpu.memory_space<semaphore_mem>>) src(%arg10 : memref<128x128xf32, #tpu.memory_space<vmem>>) dst(%dma_wait3A_1217 : memref<128x128xf32, #tpu.memory_space<hbm>>)
    %dma_wait3A_1218 = arith.constant 0 : i32
    %dma_wait3A_1219 = tpu.memref_slice %arg4[%add3A_1156, %dma_wait3A_1218] : memref<32768x128xf32, #tpu.memory_space<hbm>> -> memref<128x128xf32, #tpu.memory_space<hbm>>
    %dma_wait3A_1220 = arith.constant 0 : i32
    %dma_wait3A_1221 = tpu.memref_slice %arg4[%add3A_1156, %dma_wait3A_1220] : memref<32768x128xf32, #tpu.memory_space<hbm>> -> memref<128x128xf32, #tpu.memory_space<hbm>>
    tpu.wait_dma2 semaphore(%arg15 : memref<!tpu.dma_semaphore, #tpu.memory_space<semaphore_mem>>) src(%arg11 : memref<128x128xf32, #tpu.memory_space<vmem>>) dst(%dma_wait3A_1221 : memref<128x128xf32, #tpu.memory_space<hbm>>)
    %dma_wait3A_1222 = arith.constant 0 : i32
    %dma_wait3A_1223 = tpu.memref_slice %arg4[%add3A_1171, %dma_wait3A_1222] : memref<32768x128xf32, #tpu.memory_space<hbm>> -> memref<128x128xf32, #tpu.memory_space<hbm>>
    %dma_wait3A_1224 = arith.constant 0 : i32
    %dma_wait3A_1225 = tpu.memref_slice %arg4[%add3A_1171, %dma_wait3A_1224] : memref<32768x128xf32, #tpu.memory_space<hbm>> -> memref<128x128xf32, #tpu.memory_space<hbm>>
    tpu.wait_dma2 semaphore(%arg15 : memref<!tpu.dma_semaphore, #tpu.memory_space<semaphore_mem>>) src(%arg12 : memref<128x128xf32, #tpu.memory_space<vmem>>) dst(%dma_wait3A_1225 : memref<128x128xf32, #tpu.memory_space<hbm>>)
    %dma_wait3A_1226 = arith.constant 0 : i32
    %dma_wait3A_1227 = tpu.memref_slice %arg4[%add3A_1186, %dma_wait3A_1226] : memref<32768x128xf32, #tpu.memory_space<hbm>> -> memref<128x128xf32, #tpu.memory_space<hbm>>
    %dma_wait3A_1228 = arith.constant 0 : i32
    %dma_wait3A_1229 = tpu.memref_slice %arg4[%add3A_1186, %dma_wait3A_1228] : memref<32768x128xf32, #tpu.memory_space<hbm>> -> memref<128x128xf32, #tpu.memory_space<hbm>>
    tpu.wait_dma2 semaphore(%arg15 : memref<!tpu.dma_semaphore, #tpu.memory_space<semaphore_mem>>) src(%arg13 : memref<128x128xf32, #tpu.memory_space<vmem>>) dst(%dma_wait3A_1229 : memref<128x128xf32, #tpu.memory_space<hbm>>)
    %dma_wait3A_1230 = arith.constant 0 : i32
    %dma_wait3A_1231 = tpu.memref_slice %arg4[%add3A_1201, %dma_wait3A_1230] : memref<32768x128xf32, #tpu.memory_space<hbm>> -> memref<128x128xf32, #tpu.memory_space<hbm>>
    %dma_wait3A_1232 = arith.constant 0 : i32
    %dma_wait3A_1233 = tpu.memref_slice %arg4[%add3A_1201, %dma_wait3A_1232] : memref<32768x128xf32, #tpu.memory_space<hbm>> -> memref<128x128xf32, #tpu.memory_space<hbm>>
    tpu.wait_dma2 semaphore(%arg15 : memref<!tpu.dma_semaphore, #tpu.memory_space<semaphore_mem>>) src(%arg7 : memref<128x128xf32, #tpu.memory_space<vmem>>) dst(%dma_wait3A_1233 : memref<128x128xf32, #tpu.memory_space<hbm>>)
    return
  }
}

</mosaic_0001>

<sc_bundles>
// kernel: kernel.3.cloned.1.call-start
scs
__scs_entry_jumppad:
0x0: {  	(pc) =	sbr.rel $0x88, $3  }
0x1: {  	(tag) =	ssettag $0x0;
	lr =	simm.s32 $0x1  }
0x2: {  	[smem:$0x3FA0] =	sst lr;
	_ =	strace $0xD0000000  }
0x3: {  	_ = 	snop  }
0x4: {  	_ = 	snop  }
0x5: {  	_ = 	snop  }
0x6: {  	_ = 	snop  }
0x7: {  	_ = 	snop  }
__scs_overlays_trampoline_lowered:
0x8: {  	[smem:$0x3FAF] =	sst s0  }
0x9: {  	[smem:$0x3FB0] =	sst s1  }
0xa: {  	[smem:$0x3FB1] =	sst s2  }
0xb: {  	[smem:$0x3FB2] =	sst s3  }
0xc: {  	[smem:$0x3FB3] =	sst s4  }
0xd: {  	[smem:$0x3FB4] =	sst s5  }
0xe: {  	[smem:$0x3FB5] =	sst s6  }
0xf: {  	[smem:$0x3FB6] =	sst s7  }
0x10: {  	[smem:$0x3FB7] =	sst s8  }
0x11: {  	[smem:$0x3FB8] =	sst s9;
	s0 =	simm.s32 @!p0 $0x0  }
0x12: {  	s1 =	sld [smem:$0x3F9E];
	s0 =	simm.s32 @p0 $0x1  }
0x13: {  	[smem:$0x3FB9] =	sst s0;
	s0 =	simm.s32 @!p1 $0x0  }
0x14: {  	s2 =	sld [smem:$0x3F9D];
	s0 =	simm.s32 @p1 $0x1  }
0x15: {  	[smem:$0x3FBA] =	sst s0;
	s0 =	simm.s32 @!p2 $0x0  }
0x16: {  	s3 =	sld [smem:$0x3FDB];
	s0 =	simm.s32 @p2 $0x1  }
0x17: {  	s4 =	simm.s32 $0x1BF5;
	[smem:$0x3FBC] =	sst s0  }
0x18: {  	s0 =	sld [smem:$0x3F9F];
	_ =	swait.ge [sflag:s4], $0x0  }
0x19: {  	s7 =	sld [smem:$0x3FA0]  }
0x1a: {  	s8 =	sadd.s32 $0xFFFFE003, lr  }
0x1b: {  	s9 =	sadd.s32 $0xFFFFFEF7, lr;
	s5 =	simm.s32 $0xFFFFFFFF;
	p2 =	slt.u32 s8, $0xFFFFF086  }
0x1c: {  	p1 =	slt.u32 s9, $0xF7A;
	s5 =	simm.s32 @!p2 $0x0  }
0x1d: {  	s5 =	simm.s32 @p1 $0x1;
	p0 =	seq.s32 s7, s2  }
0x1e: {  	s7 =	smul.u32 @!p0 $0xF7A, s2;
	p2 =	seq.s32 @!p0 s5, $0x0  }
0x1f: {  	s9 =	smul.u32 $0xF7A, s1;
	s8 =	simm.s32 @!p0 $0x1BF5;
	p2 =	por !p2, p0  }
0x20: {  	[sflag:s8] =	ssyncset.s32 @!p0 $0xFFFFF086;
	s6 =	sadd.s32 @!p0 s3, s7;
	s7 =	simm.s32 @!p0 $0x108  }
0x21: {  	s3 =	sadd.s32 s3, s9;
	s6 =	sadd.s32 @!p0 $0x88, s6;
	s7 =	simm.s32 @p2 $0x1082  }
0x22: {  	[simem:s7], [sflag:s8] =	dma.local @!p0 [hbm:s6], $0xF7A  }
0x23: {  	s9 =	sor.u32 $0xD0000000, s2;
	s6 =	simm.s32 $0x108;
	_ =	swait.ge @!p0 [sflag:s8], $0x0  }
0x24: {  	s3 =	sadd.s32 $0x88, s3;
	s6 =	simm.s32 @!p1 $0x1082;
	[sflag:s4] =	ssyncset.s32 $0xFFFFF086  }
0x25: {  	[simem:s6], [sflag:s4] =	dma.local [hbm:s3], $0xF7A  }
0x26: {  	[smem:$0x3FA0] =	sst s1;
	(tag) =	ssettag s2;
	_ =	strace s9  }
0x27: {  	s1 =	sld [smem:$0x3FB0]  }
0x28: {  	s2 =	sld [smem:$0x3FB1]  }
0x29: {  	s4 =	sld [smem:$0x3FB3]  }
0x2a: {  	p0 =	seq.s32 s5, $0x0;
	s5 =	sld [smem:$0x3FB4]  }
0x2b: {  	s6 =	sld [smem:$0x3FB5]  }
0x2c: {  	s7 =	sld [smem:$0x3FB6]  }
0x2d: {  	s3 =	simm.s32 $0x108;
	s8 =	sld [smem:$0x3FB7]  }
0x2e: {  	s3 =	simm.s32 @!p0 $0x1082;
	s9 =	sld [smem:$0x3FB8]  }
0x2f: {  	lr =	sadd.s32 s0, s3;
	s0 =	sld [smem:$0x3FAF]  }
0x30: {  	s3 =	sld [smem:$0x3FB2]  }
0x31: {  	[smem:$0x3FBB] =	sst s10  }
0x32: {  	s10 =	sld [smem:$0x3FB9];
	_ =	sdelay $0x3  }
0x33: {  	p0 =	seq.s32 s10, $0x1;
	s10 =	sld [smem:$0x3FBB];
	_ =	sdelay $0x3  }
0x34: {  	[smem:$0x3FBB] =	sst s10  }
0x35: {  	s10 =	sld [smem:$0x3FBA];
	_ =	sdelay $0x3  }
0x36: {  	p1 =	seq.s32 s10, $0x1;
	s10 =	sld [smem:$0x3FBB];
	_ =	sdelay $0x3  }
0x37: {  	[smem:$0x3FBB] =	sst s10  }
0x38: {  	s10 =	sld [smem:$0x3FBC]  }
0x39: {  	_ = 	snop;
	(pc) =	sbr.ind lr, $3  }
0x3a: {  	_ = 	snop  }
0x3b: {  	_ = 	snop  }
0x3c: {  	p2 =	seq.s32 s10, $0x1;
	s10 =	sld [smem:$0x3FBB]  }
0x3d: {  	_ =	shalt  }
0x3e: {  	_ =	shalt  }
0x3f: {  	_ =	shalt  }
0x40: {  	_ =	shalt  }
0x41: {  	_ =	shalt  }
0x42: {  	_ =	shalt  }
0x43: {  	_ =	shalt  }
0x44: {  	_ =	shalt  }
0x45: {  	_ =	shalt  }
0x46: {  	_ =	shalt  }
0x47: {  	_ =	shalt  }
0x48: {  	_ =	shalt  }
0x49: {  	_ =	shalt  }
0x4a: {  	_ =	shalt  }
0x4b: {  	_ =	shalt  }
0x4c: {  	_ =	shalt  }
0x4d: {  	_ =	shalt  }
0x4e: {  	_ =	shalt  }
0x4f: {  	_ =	shalt  }
0x50: {  	_ =	shalt  }
0x51: {  	_ =	shalt  }
0x52: {  	_ =	shalt  }
0x53: {  	_ =	shalt  }
0x54: {  	_ =	shalt  }
0x55: {  	_ =	shalt  }
0x56: {  	_ =	shalt  }
0x57: {  	_ =	shalt  }
0x58: {  	_ =	shalt  }
0x59: {  	_ =	shalt  }
0x5a: {  	_ =	shalt  }
0x5b: {  	_ =	shalt  }
0x5c: {  	_ =	shalt  }
0x5d: {  	_ =	shalt  }
0x5e: {  	_ =	shalt  }
0x5f: {  	_ =	shalt  }
0x60: {  	_ =	shalt  }
0x61: {  	_ =	shalt  }
0x62: {  	_ =	shalt  }
0x63: {  	_ =	shalt  }
0x64: {  	_ =	shalt  }
0x65: {  	_ =	shalt  }
0x66: {  	_ =	shalt  }
0x67: {  	_ =	shalt  }
0x68: {  	_ =	shalt  }
0x69: {  	_ =	shalt  }
0x6a: {  	_ =	shalt  }
0x6b: {  	_ =	shalt  }
0x6c: {  	_ =	shalt  }
0x6d: {  	_ =	shalt  }
0x6e: {  	_ =	shalt  }
0x6f: {  	_ =	shalt  }
0x70: {  	_ =	shalt  }
0x71: {  	_ =	shalt  }
0x72: {  	_ =	shalt  }
0x73: {  	_ =	shalt  }
0x74: {  	_ =	shalt  }
0x75: {  	_ =	shalt  }
0x76: {  	_ =	shalt  }
0x77: {  	_ =	shalt  }
0x78: {  	_ =	shalt  }
0x79: {  	_ =	shalt  }
0x7a: {  	_ =	shalt  }
0x7b: {  	_ =	shalt  }
0x7c: {  	_ =	shalt  }
0x7d: {  	_ =	shalt  }
0x7e: {  	_ =	shalt  }
0x7f: {  	_ =	shalt  }
0x80: {  	_ =	shalt  }
0x81: {  	_ =	shalt  }
0x82: {  	_ =	shalt  }
0x83: {  	_ =	shalt  }
0x84: {  	_ =	shalt  }
0x85: {  	_ =	shalt  }
0x86: {  	_ =	shalt  }
0x87: {  	_ =	shalt  }
.Lfunc_end0:
.L_simem_size_0:
called_computation_lowered:
.L_overlay_start_0:
0x88: {  	s2 =	sld [smem:$0x3FD9]  }
0x89: {  	s3 =	sld [smem:$0x3FFE];
	_ =	sdelay $0x1  }
0x8a: {  	s1 =	srdreg.scid  }
0x8b: {  	s0 =	sand.u32 $0x1, s1  }
0x8c: {  	s17 =	sshll.u32 s0, $0xA;
	s2 =	sadd.s32 s3, s2  }
0x8d: {  	s2 =	sadd.s32 s2, s17  }
0x8e: {  	[smem:$0x3FC7] =	sst s2  }
0x8f: {  	_ = 	snop  }
0x90: {  	s2 =	sld [smem:$0x3FC9]  }
0x91: {  	s18 =	sld [smem:$0x3FD0];
	(tm) =	ssettm $0x1  }
0x92: {  	s4 =	sld [smem:$0x3FFB];
	_ =	sdelay $0x3  }
0x93: {  	_ =	strace s4  }
0x94: {  	s4 =	sld [smem:$0x3FFC];
	_ =	sdelay $0x3  }
0x95: {  	_ =	strace s4  }
0x96: {  	s4 =	sld [smem:$0x3FFD];
	_ =	sdelay $0x3  }
0x97: {  	_ =	strace s4  }
0x98: {  	_ =	strace $0x8FFFFFFF  }
0x99: {  	s19 =	sld [smem:$0x3FDB];
	_ =	sdelay $0x1  }
0x9a: {  	s5 =	simm.s32 $_scs_section_size  }
0x9b: {  	s6 =	simm.s32 $_size__tile_overlayer_lowered;
	s7 =	simm.s32 $_tile_overlayer_lowered  }
0x9c: {  	s22 =	simm.s32 $0x1BFF;
	s21 =	sshll.u32 s7, $0x1;
	s4 =	sadd.s32 s5, s19  }
0x9d: {  	s8 =	simm.s32 $0x0;
	s20 =	sshll.u32 s6, $0x1;
	s6 =	sadd.s32 s21, s4  }
0x9e: {  	[timem:s8], [sflag:s22] =	dma.local [hbm:s6], s20  }
0x9f: {  	_ =	swait.ge [sflag:s22], s20  }
0xa0: {  	s5 =	ssub.s32 $0x0, s20;
	[sflag:s22] =	ssyncset.done $0x0  }
0xa1: {  	[sflag:s22] =	ssyncadd.s32 s5;
	_ =	sdelay $0x1  }
0xa2: {  	s23 =	simm.s32 $0x1B8B  }
0xa3: {  	_ =	swait.ge [sflag:s23], $0x1  }
0xa4: {  	[sflag:s23] =	ssyncset.done $0x0  }
0xa5: {  	s25 =	simm.s32 $0x1B8E;
	s24 =	sld [smem:$0x3FFE];
	[sflag:s23] =	ssyncadd.s32 $0xFFFFFFFF  }
0xa6: {  	s26 =	simm.s32 $execute0_lowered;
	[smem:$0x3FD2] =	sst s25  }
0xa7: {  	s6 =	sshll.u32 s26, $0x1;
	_ =	strace $0x80000046;
	[dreg:$0x1] =	wrdreg $0xFFFFFFFF  }
0xa8: {  	s28 =	simm.s32 $_size_execute0_lowered;
	s4 =	sadd.s32 s4, s6;
	[dreg:$0x0] =	wrdreg $0x0  }
0xa9: {  	s6 =	sshll.u32 s28, $0x1;
	[dreg:$0x2] =	wrdreg s4  }
0xaa: {  	[dreg:$0x3] =	wrdreg s6  }
0xab: {  	[dreg:$0x4] =	wrdreg $0xC0  }
0xac: {  	_ =	task [dreg:s8], $0x5FFFF  }
0xad: {  	[dreg:$0x1] =	wrdreg $0xFFFFFFFF  }
0xae: {  	[dreg:$0x0] =	wrdreg $0x60  }
0xaf: {  	[dreg:$0x2] =	wrdreg s2  }
0xb0: {  	[dreg:$0x3] =	wrdreg s24  }
0xb1: {  	[dreg:$0x4] =	wrdreg s18  }
0xb2: {  	[dreg:$0x5] =	wrdreg $0x9  }
0xb3: {  	_ =	task.clear_ibuf [dreg:s8], $0x6FFFF;
	_ =	strace $0x90000046  }
0xb4: {  	s29 =	simm.s32 $0x9;
	_ =	strace $0x80000048  }
0xb5: {  	_ =	swait.ge [sflag:s29], $0x1  }
0xb6: {  	[sflag:s29] =	ssyncadd.s32 $0xFFFFFFFF  }
0xb7: {  	_ =	strace $0x90000048  }
0xb8: {  	_ =	sfence  }
0xb9: {  	s30 =	sld [smem:$0x0];
	_ =	sdelay $0x2  }
0xba: {  	s31 =	sshll.u32 s1, $0xD;
	s1 =	sshrl.u32 s1, $0x2  }
0xbb: {  	s3 =	sand.u32 $0x4000, s31;
	s1 =	sadd.s32 s1, s30  }
0xbc: {  	s0 =	sor.u32 s3, s0;
	s1 =	sshll.u32 s1, $0x11  }
0xbd: {  	s0 =	sor.u32 s1, s0  }
0xbe: {  	s0 =	sadd.s32 $0x8F2B, s0  }
0xbf: {  	[sflag:s0] =	ssyncadd.remote.s32 $0x1  }
0xc0: {  	_ =	sfence.sel $0xFFFF  }
0xc1: {  	[dreg:$0x0] =	wrdreg $0xFFFFFFFF;
	(pc) =	sbr.abs _section_cstart, $3  }
0xc2: {  	[dreg:$0x1] =	wrdreg $0xFFFFFFFF  }
0xc3: {  	_ =	task.clear_ibuf [dreg:s8], $0x2FFFF;
	_ =	strace $0x9FFFFFFF  }
0xc4: {  	(tm) =	ssettm $0x7FFFFFFF  }
0xc5: {  	_ =	shalt  }
tec
execute0_lowered:
.L_overlay_start_1:
0x0: {  	(tag) =	ssettag $0x1  }
0x1: {  	s1 =	rddreg [dreg:$0x0]  }
0x2: {  	s4 =	rddreg [dreg:$0x1]  }
0x3: {  	s7 =	rddreg [dreg:$0x2];
	s3 =	simm.s32 $0x0;
	s5 =	srdreg.scid  }
0x4: {  	s0 =	stileid.u32;
	[smem:$0x7FF] =	sst s3;
	s5 =	sand.u32 $0x1, s5  }
0x5: {  	s6 =	sshll.u32 s0, $0x1;
	s4 =	sadd.s32 $0x800, s4;
	_ =	strace $0x80000047  }
0x6: {  	s8 =	ssub.s32 $0x2, s5;
	s9 =	sor.u32 s5, s6;
	[dreg:$0x4] =	wrdreg s4  }
0x7: {  	s0 =	sshrl.u32 s8, $0x1;
	s5 =	sshll.u32 s9, $0xD;
	s9 =	sshll.u32 s9, $0xE  }
0x8: {  	s6 =	ssub.s32 s8, s0;
	s2 =	sor.u32 $0x80, s5;
	s10 =	sor.u32 $0x100, s5  }
0x9: {  	s11 =	sor.u32 $0x180, s5;
	s12 =	sor.u32 $0x200, s5;
	s13 =	sor.u32 $0x280, s5  }
0xa: {  	s14 =	sor.u32 $0x300, s5;
	s15 =	sor.u32 $0x380, s5;
	s16 =	sor.u32 $0x400, s5  }
0xb: {  	s17 =	sor.u32 $0x480, s5;
	s18 =	sor.u32 $0x500, s5;
	s19 =	sor.u32 $0x580, s5  }
0xc: {  	s20 =	sor.u32 $0x600, s5;
	s21 =	sor.u32 $0x680, s5;
	s22 =	sor.u32 $0x700, s5  }
0xd: {  	s23 =	sor.u32 $0x780, s5;
	s24 =	sor.u32 $0x800, s5;
	s25 =	sor.u32 $0x880, s5  }
0xe: {  	v0 =	vlaneseq.u32;
	s26 =	sor.u32 $0x900, s5;
	s4 =	sadd.s32 s7, s9;
	s7 =	sor.u32 $0x980, s5  }
0xf: {  	v63 =	vmul.u32 $0x8, v0;
	s9 =	sor.u32 $0xA00, s5;
	s28 =	sor.u32 $0xA80, s5;
	s29 =	sor.u32 $0xB00, s5  }
0x10: {  	s30 =	sor.u32 $0xB80, s5;
	s8 =	sor.u32 $0xC00, s5;
	s31 =	sor.u32 $0xC80, s5  }
0x11: {  	s0 =	sor.u32 $0xD00, s5;
	v58 =	vor.u32 s10, v63;
	v59 =	vor.u32 s11, v63;
	s10 =	sor.u32 $0xD80, s5;
	s11 =	sor.u32 $0xE00, s5  }
0x12: {  	v60 =	vor.u32 s12, v63;
	s12 =	sor.u32 $0xE80, s5;
	v61 =	vor.u32 s13, v63;
	v62 =	vor.u32 s14, v63;
	s13 =	sor.u32 $0xF00, s5;
	s14 =	sor.u32 $0xF80, s5  }
0x13: {  	v0 =	vor.u32 s2, v63;
	v6 =	vor.u32 s15, v63;
	s15 =	sor.u32 $0x1000, s5;
	v7 =	vor.u32 s16, v63;
	s16 =	sor.u32 $0x1080, s5;
	s2 =	sor.u32 $0x1400, s5  }
0x14: {  	v8 =	vor.u32 s17, v63;
	s17 =	sor.u32 $0x1100, s5;
	v17 =	vor.u32 s26, v63;
	s26 =	sor.u32 $0x1580, s5;
	[dreg:$0x5] =	wrdreg s2  }
0x15: {  	v9 =	vor.u32 s18, v63;
	s18 =	sor.u32 $0x1180, s5;
	v19 =	vor.u32 s9, v63;
	s9 =	sor.u32 $0x1700, s5;
	[dreg:$0x6] =	wrdreg s26  }
0x16: {  	v10 =	vor.u32 s19, v63;
	s19 =	sor.u32 $0x1200, s5;
	v14 =	vor.u32 s23, v63;
	s23 =	sor.u32 $0x1780, s5;
	[dreg:$0x7] =	wrdreg s9  }
0x17: {  	v11 =	vor.u32 s20, v63;
	s20 =	sor.u32 $0x1280, s5;
	v16 =	vor.u32 s25, v63;
	s25 =	sor.u32 $0x1900, s5;
	[dreg:$0x8] =	wrdreg s23  }
0x18: {  	v12 =	vor.u32 s21, v63;
	s21 =	sor.u32 $0x1300, s5;
	v23 =	vor.u32 s8, v63;
	s8 =	sor.u32 $0x1A00, s5;
	[dreg:$0x9] =	wrdreg s25  }
0x19: {  	v13 =	vor.u32 s22, v63;
	s22 =	sor.u32 $0x1380, s5;
	[dreg:$0xa] =	wrdreg s8;
	s9 =	sor.u32 $0x1A80, s5  }
0x1a: {  	v15 =	vor.u32 s24, v63;
	s24 =	sor.u32 $0x1480, s5;
	v26 =	vor.u32 s10, v63;
	s10 =	sor.u32 $0x1B80, s5;
	[dreg:$0xb] =	wrdreg s9  }
0x1b: {  	v18 =	vor.u32 s7, v63;
	s7 =	sor.u32 $0x1500, s5;
	v27 =	vor.u32 s11, v63;
	s11 =	sor.u32 $0x1C00, s5;
	[dreg:$0xc] =	wrdreg s10  }
0x1c: {  	v20 =	vor.u32 s28, v63;
	s28 =	sor.u32 $0x1680, s5;
	v28 =	vor.u32 s12, v63;
	s12 =	sor.u32 $0x1D00, s5;
	[dreg:$0xd] =	wrdreg s11  }
0x1d: {  	v22 =	vor.u32 s30, v63;
	s30 =	sor.u32 $0x1800, s5;
	v29 =	vor.u32 s13, v63;
	s13 =	sor.u32 $0x1D80, s5;
	[dreg:$0xe] =	wrdreg s12  }
0x1e: {  	v24 =	vor.u32 s31, v63;
	s31 =	sor.u32 $0x1880, s5;
	v30 =	vor.u32 s14, v63;
	s14 =	sor.u32 $0x1E80, s5;
	[dreg:$0xf] =	wrdreg s13  }
0x1f: {  	v25 =	vor.u32 s0, v63;
	s0 =	sor.u32 $0x1980, s5;
	v31 =	vor.u32 s15, v63;
	s15 =	sor.u32 $0x1F00, s5;
	[dreg:$0x10] =	wrdreg s14  }
0x20: {  	v21 =	vor.u32 s29, v63;
	s29 =	sor.u32 $0x1F80, s5;
	s26 =	sor.u32 $0x1600, s5;
	[dreg:$0x11] =	wrdreg s15  }
0x21: {  	s2 =	sor.u32 $0x1B00, s5;
	v32 =	vor.u32 s16, v63;
	s23 =	sor.u32 $0x1C80, s5;
	s16 =	rddreg [dreg:$0x5]  }
0x22: {  	v39 =	vor.u32 s5, v63;
	v33 =	vor.u32 s17, v63;
	s25 =	sor.u32 $0x1E00, s5;
	s5 =	smax.u32 s6, $0x1;
	s17 =	rddreg [dreg:$0x6]  }
0x23: {  	v34 =	vor.u32 s18, v63;
	s6 =	sadd.s32 $0x800, s4;
	v42 =	vor.u32 s7, v63;
	s7 =	sadd.s32 $0x1000, s4;
	s18 =	rddreg [dreg:$0x7]  }
0x24: {  	v35 =	vor.u32 s19, v63;
	s8 =	sadd.s32 $0x1800, s4;
	v45 =	vor.u32 s28, v63;
	s28 =	simm.s32 $0x18800;
	s19 =	rddreg [dreg:$0x8]  }
0x25: {  	v36 =	vor.u32 s20, v63;
	v48 =	vor.u32 s30, v63;
	v49 =	vor.u32 s31, v63;
	s30 =	simm.s32 $0x2;
	s31 =	simm.s32 $0x380;
	s20 =	rddreg [dreg:$0x9]  }
0x26: {  	v37 =	vor.u32 s21, v63;
	s9 =	sadd.s32 $0x2000, s4;
	s10 =	sadd.s32 $0x2800, s4;
	s21 =	rddreg [dreg:$0xa]  }
0x27: {  	v38 =	vor.u32 s22, v63;
	s11 =	sadd.s32 $0x3000, s4;
	s12 =	sadd.s32 $0x3800, s4;
	s22 =	rddreg [dreg:$0xb]  }
0x28: {  	v41 =	vor.u32 s24, v63;
	v51 =	vor.u32 s0, v63;
	s13 =	simm.s32 $0x400;
	s14 =	simm.s32 $0x3;
	s24 =	rddreg [dreg:$0xc]  }
0x29: {  	[tilespmem:$0x1FFA0] =	vst v0;
	v44 =	vor.u32 s26, v63;
	s15 =	simm.s32 $0x80;
	v54 =	vor.u32 s2, v63;
	v57 =	vor.u32 s23, v63;
	s23 =	simm.s32 $0x10800;
	s26 =	rddreg [dreg:$0xd]  }
0x2a: {  	[tilespmem:$0x1FFD0] =	vst v60;
	v60 =	vor.u32 s25, v63;
	s25 =	simm.s32 $0x14800;
	v40 =	vor.u32 s16, v63;
	v43 =	vor.u32 s17, v63;
	s16 =	simm.s32 $0x800;
	s2 =	rddreg [dreg:$0xe]  }
0x2b: {  	[tilespmem:$0x1FFB0] =	vst v58;
	v46 =	vor.u32 s18, v63;
	v47 =	vor.u32 s19, v63;
	s17 =	simm.s32 $0x4800;
	s18 =	simm.s32 $0x100;
	v56 =	vor.u32 s26, v63;
	s26 =	rddreg [dreg:$0xf]  }
0x2c: {  	[tilespmem:$0x1FFC0] =	vst v59;
	v50 =	vor.u32 s20, v63;
	v52 =	vor.u32 s21, v63;
	s19 =	simm.s32 $0x8800;
	s20 =	simm.s32 $0x180;
	v58 =	vor.u32 s2, v63;
	s2 =	rddreg [dreg:$0x10]  }
0x2d: {  	[tilespmem:$0x1FFE0] =	vst v61;
	s21 =	simm.s32 $0xC800;
	v53 =	vor.u32 s22, v63;
	v55 =	vor.u32 s24, v63;
	s22 =	simm.s32 $0x200;
	v61 =	vor.u32 s2, v63;
	s2 =	rddreg [dreg:$0x11]  }
0x2e: {  	[tilespmem:$0x1FFF0] =	vst v62;
	s24 =	simm.s32 $0x280;
	v59 =	vor.u32 s26, v63;
	s26 =	simm.s32 $0x300;
	v62 =	vor.u32 s2, v63;
	v63 =	vor.u32 s29, v63;
	s29 =	simm.s32 $0x1  }
.LBB2_1:
0x2f: {  	s0 =	rddreg [dreg:$0x4]  }
0x30: {  	[tilespmem:s13], [sflag:$0x3] =	stream.linear.gather [hbm4b:s0+s3], $0x400, $0x38;
	[tilespmem:$0x1C800] =	vst v63  }
0x31: {  	_ =	swait.ge [sflag:s14], $0x400  }
0x32: {  	[sflag:s14] =	ssyncset.done $0x0  }
0x33: {  	[sflag:s14] =	ssyncadd.s32 $0xFFFFFC00  }
0x34: {  	v0 =	vld [tilespmem:$0x400];
	_ =	sdelay $0x4  }
0x35: {  	v1 =	vld [tilespmem:$0x410];
	v0 =	vadd.s32 v0, v39  }
0x36: {  	[tilespmem:$0x0] =	vst v0;
	v0 =	vld [tilespmem:$0x1FFA0];
	_ =	sdelay $0x4  }
0x37: {  	v2 =	vld [tilespmem:$0x420];
	v0 =	vadd.s32 v1, v0  }
0x38: {  	[tilespmem:$0x10] =	vst v0;
	v0 =	vld [tilespmem:$0x1FFB0];
	_ =	sdelay $0x4  }
0x39: {  	v3 =	vld [tilespmem:$0x430];
	v0 =	vadd.s32 v2, v0  }
0x3a: {  	[tilespmem:$0x20] =	vst v0;
	v0 =	vld [tilespmem:$0x1FFC0];
	_ =	sdelay $0x4  }
0x3b: {  	v4 =	vld [tilespmem:$0x440];
	v0 =	vadd.s32 v3, v0  }
0x3c: {  	[tilespmem:$0x30] =	vst v0;
	v0 =	vld [tilespmem:$0x1FFD0];
	_ =	sdelay $0x4  }
0x3d: {  	v5 =	vld [tilespmem:$0x450];
	v0 =	vadd.s32 v4, v0  }
0x3e: {  	[tilespmem:$0x40] =	vst v0;
	v0 =	vld [tilespmem:$0x1FFE0];
	_ =	sdelay $0x4  }
0x3f: {  	v1 =	vld [tilespmem:$0x460];
	v0 =	vadd.s32 v5, v0  }
0x40: {  	[tilespmem:$0x50] =	vst v0;
	v0 =	vld [tilespmem:$0x1FFF0]  }
0x41: {  	v2 =	vld [tilespmem:$0x470];
	_ =	sdelay $0x3  }
0x42: {  	v0 =	vadd.s32 v1, v0  }
0x43: {  	[tilespmem:$0x60] =	vst v0;
	v0 =	vadd.s32 v2, v6  }
0x44: {  	[tilespmem:$0x70] =	vst v0  }
0x45: {  	[tilespmem:s16], [sflag:$0x1] =	stream.indirect.gather [hbm4b:s1+s15], $0x80, s3, s15, $0xb8;
	[tilespmem:$0x1C800] =	vst v63  }
0x46: {  	v0 =	vld [tilespmem:$0x480]  }
0x47: {  	v1 =	vld [tilespmem:$0x490]  }
0x48: {  	v2 =	vld [tilespmem:$0x4A0]  }
0x49: {  	v3 =	vld [tilespmem:$0x4B0]  }
0x4a: {  	v4 =	vld [tilespmem:$0x4C0]  }
0x4b: {  	v5 =	vld [tilespmem:$0x4D0];
	v0 =	vadd.s32 v0, v7  }
0x4c: {  	[tilespmem:$0x80] =	vst v0;
	v0 =	vadd.s32 v1, v8;
	v1 =	vld [tilespmem:$0x4E0]  }
0x4d: {  	[tilespmem:$0x90] =	vst v0;
	v0 =	vadd.s32 v2, v9;
	v2 =	vld [tilespmem:$0x4F0]  }
0x4e: {  	[tilespmem:$0xA0] =	vst v0;
	v0 =	vadd.s32 v3, v10  }
0x4f: {  	[tilespmem:$0xB0] =	vst v0;
	v0 =	vadd.s32 v4, v11  }
0x50: {  	[tilespmem:$0xC0] =	vst v0;
	v0 =	vadd.s32 v5, v12  }
0x51: {  	[tilespmem:$0xD0] =	vst v0;
	v0 =	vadd.s32 v1, v13  }
0x52: {  	[tilespmem:$0xE0] =	vst v0;
	v0 =	vadd.s32 v2, v14  }
0x53: {  	[tilespmem:$0xF0] =	vst v0  }
0x54: {  	[tilespmem:s17], [sflag:$0x1] =	stream.indirect.gather [hbm4b:s1+s15], $0x80, s15, s15, $0xb8;
	[tilespmem:$0x1C800] =	vst v63  }
0x55: {  	v0 =	vld [tilespmem:$0x500]  }
0x56: {  	v1 =	vld [tilespmem:$0x510]  }
0x57: {  	v2 =	vld [tilespmem:$0x520]  }
0x58: {  	v3 =	vld [tilespmem:$0x530]  }
0x59: {  	v4 =	vld [tilespmem:$0x540]  }
0x5a: {  	v5 =	vld [tilespmem:$0x550];
	v0 =	vadd.s32 v0, v15  }
0x5b: {  	[tilespmem:$0x100] =	vst v0;
	v0 =	vadd.s32 v1, v16;
	v1 =	vld [tilespmem:$0x560]  }
0x5c: {  	[tilespmem:$0x110] =	vst v0;
	v0 =	vadd.s32 v2, v17;
	v2 =	vld [tilespmem:$0x570]  }
0x5d: {  	[tilespmem:$0x120] =	vst v0;
	v0 =	vadd.s32 v3, v18  }
0x5e: {  	[tilespmem:$0x130] =	vst v0;
	v0 =	vadd.s32 v4, v19  }
0x5f: {  	[tilespmem:$0x140] =	vst v0;
	v0 =	vadd.s32 v5, v20  }
0x60: {  	[tilespmem:$0x150] =	vst v0;
	v0 =	vadd.s32 v1, v21  }
0x61: {  	[tilespmem:$0x160] =	vst v0;
	v0 =	vadd.s32 v2, v22  }
0x62: {  	[tilespmem:$0x170] =	vst v0  }
0x63: {  	[tilespmem:s19], [sflag:$0x1] =	stream.indirect.gather [hbm4b:s1+s15], $0x80, s18, s15, $0xb8;
	[tilespmem:$0x1C800] =	vst v63  }
0x64: {  	v0 =	vld [tilespmem:$0x580]  }
0x65: {  	v1 =	vld [tilespmem:$0x590]  }
0x66: {  	v2 =	vld [tilespmem:$0x5A0]  }
0x67: {  	v3 =	vld [tilespmem:$0x5B0]  }
0x68: {  	v4 =	vld [tilespmem:$0x5C0]  }
0x69: {  	v5 =	vld [tilespmem:$0x5D0];
	v0 =	vadd.s32 v0, v23  }
0x6a: {  	[tilespmem:$0x180] =	vst v0;
	v0 =	vadd.s32 v1, v24;
	v1 =	vld [tilespmem:$0x5E0]  }
0x6b: {  	[tilespmem:$0x190] =	vst v0;
	v0 =	vadd.s32 v2, v25;
	v2 =	vld [tilespmem:$0x5F0]  }
0x6c: {  	[tilespmem:$0x1A0] =	vst v0;
	v0 =	vadd.s32 v3, v26  }
0x6d: {  	[tilespmem:$0x1B0] =	vst v0;
	v0 =	vadd.s32 v4, v27  }
0x6e: {  	[tilespmem:$0x1C0] =	vst v0;
	v0 =	vadd.s32 v5, v28  }
0x6f: {  	[tilespmem:$0x1D0] =	vst v0;
	v0 =	vadd.s32 v1, v29  }
0x70: {  	[tilespmem:$0x1E0] =	vst v0;
	v0 =	vadd.s32 v2, v30  }
0x71: {  	[tilespmem:$0x1F0] =	vst v0  }
0x72: {  	[tilespmem:s21], [sflag:$0x1] =	stream.indirect.gather [hbm4b:s1+s15], $0x80, s20, s15, $0xb8;
	[tilespmem:$0x1C800] =	vst v63  }
0x73: {  	v0 =	vld [tilespmem:$0x600]  }
0x74: {  	v1 =	vld [tilespmem:$0x610]  }
0x75: {  	v2 =	vld [tilespmem:$0x620]  }
0x76: {  	v3 =	vld [tilespmem:$0x630]  }
0x77: {  	v4 =	vld [tilespmem:$0x640]  }
0x78: {  	v5 =	vld [tilespmem:$0x650];
	v0 =	vadd.s32 v0, v31  }
0x79: {  	[tilespmem:$0x200] =	vst v0;
	v0 =	vadd.s32 v1, v32;
	v1 =	vld [tilespmem:$0x660]  }
0x7a: {  	[tilespmem:$0x210] =	vst v0;
	v0 =	vadd.s32 v2, v33;
	v2 =	vld [tilespmem:$0x670]  }
0x7b: {  	[tilespmem:$0x220] =	vst v0;
	v0 =	vadd.s32 v3, v34  }
0x7c: {  	[tilespmem:$0x230] =	vst v0;
	v0 =	vadd.s32 v4, v35  }
0x7d: {  	[tilespmem:$0x240] =	vst v0;
	v0 =	vadd.s32 v5, v36  }
0x7e: {  	[tilespmem:$0x250] =	vst v0;
	v0 =	vadd.s32 v1, v37  }
0x7f: {  	[tilespmem:$0x260] =	vst v0;
	v0 =	vadd.s32 v2, v38  }
0x80: {  	[tilespmem:$0x270] =	vst v0  }
0x81: {  	[tilespmem:s23], [sflag:$0x1] =	stream.indirect.gather [hbm4b:s1+s15], $0x80, s22, s15, $0xb8;
	[tilespmem:$0x1C800] =	vst v63  }
0x82: {  	v0 =	vld [tilespmem:$0x680]  }
0x83: {  	v1 =	vld [tilespmem:$0x690]  }
0x84: {  	v2 =	vld [tilespmem:$0x6A0]  }
0x85: {  	v3 =	vld [tilespmem:$0x6B0]  }
0x86: {  	v4 =	vld [tilespmem:$0x6C0]  }
0x87: {  	v5 =	vld [tilespmem:$0x6D0];
	v0 =	vadd.s32 v0, v40  }
0x88: {  	[tilespmem:$0x280] =	vst v0;
	v0 =	vadd.s32 v1, v41;
	v1 =	vld [tilespmem:$0x6E0]  }
0x89: {  	[tilespmem:$0x290] =	vst v0;
	v0 =	vadd.s32 v2, v42;
	v2 =	vld [tilespmem:$0x6F0]  }
0x8a: {  	[tilespmem:$0x2A0] =	vst v0;
	v0 =	vadd.s32 v3, v43  }
0x8b: {  	[tilespmem:$0x2B0] =	vst v0;
	v0 =	vadd.s32 v4, v44  }
0x8c: {  	[tilespmem:$0x2C0] =	vst v0;
	v0 =	vadd.s32 v5, v45  }
0x8d: {  	[tilespmem:$0x2D0] =	vst v0;
	v0 =	vadd.s32 v1, v46  }
0x8e: {  	[tilespmem:$0x2E0] =	vst v0;
	v0 =	vadd.s32 v2, v47  }
0x8f: {  	[tilespmem:$0x2F0] =	vst v0  }
0x90: {  	[tilespmem:s25], [sflag:$0x1] =	stream.indirect.gather [hbm4b:s1+s15], $0x80, s24, s15, $0xb8;
	[tilespmem:$0x1C800] =	vst v63  }
0x91: {  	v0 =	vld [tilespmem:$0x700]  }
0x92: {  	v1 =	vld [tilespmem:$0x710]  }
0x93: {  	v2 =	vld [tilespmem:$0x720]  }
0x94: {  	v3 =	vld [tilespmem:$0x730]  }
0x95: {  	v4 =	vld [tilespmem:$0x740]  }
0x96: {  	v5 =	vld [tilespmem:$0x750];
	v0 =	vadd.s32 v0, v48  }
0x97: {  	[tilespmem:$0x300] =	vst v0;
	v0 =	vadd.s32 v1, v49;
	v1 =	vld [tilespmem:$0x760]  }
0x98: {  	[tilespmem:$0x310] =	vst v0;
	v0 =	vadd.s32 v2, v50;
	v2 =	vld [tilespmem:$0x770]  }
0x99: {  	[tilespmem:$0x320] =	vst v0;
	v0 =	vadd.s32 v3, v51  }
0x9a: {  	[tilespmem:$0x330] =	vst v0;
	v0 =	vadd.s32 v4, v52  }
0x9b: {  	[tilespmem:$0x340] =	vst v0;
	v0 =	vadd.s32 v5, v53  }
0x9c: {  	[tilespmem:$0x350] =	vst v0;
	v0 =	vadd.s32 v1, v54  }
0x9d: {  	[tilespmem:$0x360] =	vst v0;
	v0 =	vadd.s32 v2, v55  }
0x9e: {  	[tilespmem:$0x370] =	vst v0  }
0x9f: {  	[tilespmem:s28], [sflag:$0x1] =	stream.indirect.gather [hbm4b:s1+s15], $0x80, s26, s15, $0xb8;
	[tilespmem:$0x1C800] =	vst v63  }
0xa0: {  	v0 =	vld [tilespmem:$0x780]  }
0xa1: {  	v1 =	vld [tilespmem:$0x790]  }
0xa2: {  	v2 =	vld [tilespmem:$0x7A0]  }
0xa3: {  	v3 =	vld [tilespmem:$0x7B0]  }
0xa4: {  	v4 =	vld [tilespmem:$0x7C0]  }
0xa5: {  	v5 =	vld [tilespmem:$0x7D0];
	v0 =	vadd.s32 v0, v56  }
0xa6: {  	[tilespmem:$0x380] =	vst v0;
	v0 =	vadd.s32 v1, v57;
	v1 =	vld [tilespmem:$0x7E0]  }
0xa7: {  	[tilespmem:$0x390] =	vst v0;
	v0 =	vadd.s32 v2, v58;
	v2 =	vld [tilespmem:$0x7F0]  }
0xa8: {  	[tilespmem:$0x3A0] =	vst v0;
	v0 =	vadd.s32 v3, v59  }
0xa9: {  	[tilespmem:$0x3B0] =	vst v0;
	v0 =	vadd.s32 v4, v60  }
0xaa: {  	[tilespmem:$0x3C0] =	vst v0;
	v0 =	vadd.s32 v5, v61  }
0xab: {  	[tilespmem:$0x3D0] =	vst v0;
	v0 =	vadd.s32 v1, v62  }
0xac: {  	[tilespmem:$0x3E0] =	vst v0;
	v0 =	vadd.s32 v2, v63  }
0xad: {  	[tilespmem:$0x3F0] =	vst v0  }
0xae: {  	_ =	swait.ge [sflag:s29], $0x4000  }
0xaf: {  	[sflag:s29] =	ssyncset.done $0x0  }
0xb0: {  	[sflag:s29] =	ssyncadd.s32 $0xFFFFC000  }
0xb1: {  	[hbm4b:s4+s3] =	stream.linear.scatter [tilespmem:s16], [sflag:$0x2], $0x4000, $0x38;
	[tilespmem:$0x1C800] =	vst v63  }
0xb2: {  	_ =	swait.ge [sflag:s30], $0x4000  }
0xb3: {  	[sflag:s30] =	ssyncset.done $0x0  }
0xb4: {  	[sflag:s30] =	ssyncadd.s32 $0xFFFFC000  }
0xb5: {  	[tilespmem:s16], [sflag:$0x1] =	stream.indirect.gather [hbm4b:s1+s15], $0x80, s31, s15, $0xb8;
	[tilespmem:$0x1C800] =	vst v63  }
0xb6: {  	_ =	swait.ge [sflag:s29], $0x4000  }
0xb7: {  	[sflag:s29] =	ssyncset.done $0x0  }
0xb8: {  	[sflag:s29] =	ssyncadd.s32 $0xFFFFC000  }
0xb9: {  	[hbm4b:s6+s3] =	stream.linear.scatter [tilespmem:s17], [sflag:$0x2], $0x4000, $0x38;
	[tilespmem:$0x1C800] =	vst v63  }
0xba: {  	_ =	swait.ge [sflag:s29], $0x4000  }
0xbb: {  	[sflag:s29] =	ssyncset.done $0x0  }
0xbc: {  	[sflag:s29] =	ssyncadd.s32 $0xFFFFC000  }
0xbd: {  	[hbm4b:s7+s3] =	stream.linear.scatter [tilespmem:s19], [sflag:$0x2], $0x4000, $0x38;
	[tilespmem:$0x1C800] =	vst v63  }
0xbe: {  	_ =	swait.ge [sflag:s29], $0x4000  }
0xbf: {  	[sflag:s29] =	ssyncset.done $0x0  }
0xc0: {  	[sflag:s29] =	ssyncadd.s32 $0xFFFFC000  }
0xc1: {  	[hbm4b:s8+s3] =	stream.linear.scatter [tilespmem:s21], [sflag:$0x2], $0x4000, $0x38;
	[tilespmem:$0x1C800] =	vst v63  }
0xc2: {  	_ =	swait.ge [sflag:s29], $0x4000  }
0xc3: {  	[sflag:s29] =	ssyncset.done $0x0  }
0xc4: {  	[sflag:s29] =	ssyncadd.s32 $0xFFFFC000  }
0xc5: {  	[hbm4b:s9+s3] =	stream.linear.scatter [tilespmem:s23], [sflag:$0x2], $0x4000, $0x38;
	[tilespmem:$0x1C800] =	vst v63  }
0xc6: {  	_ =	swait.ge [sflag:s29], $0x4000  }
0xc7: {  	[sflag:s29] =	ssyncset.done $0x0  }
0xc8: {  	[sflag:s29] =	ssyncadd.s32 $0xFFFFC000  }
0xc9: {  	[hbm4b:s10+s3] =	stream.linear.scatter [tilespmem:s25], [sflag:$0x2], $0x4000, $0x38;
	[tilespmem:$0x1C800] =	vst v63  }
0xca: {  	_ =	swait.ge [sflag:s29], $0x4000  }
0xcb: {  	[sflag:s29] =	ssyncset.done $0x0  }
0xcc: {  	[sflag:s29] =	ssyncadd.s32 $0xFFFFC000  }
0xcd: {  	[hbm4b:s11+s3] =	stream.linear.scatter [tilespmem:s28], [sflag:$0x2], $0x4000, $0x38;
	[tilespmem:$0x1C800] =	vst v63  }
0xce: {  	_ =	swait.ge [sflag:s29], $0x4000  }
0xcf: {  	[sflag:s29] =	ssyncset.done $0x0  }
0xd0: {  	[sflag:s29] =	ssyncadd.s32 $0xFFFFC000  }
0xd1: {  	[hbm4b:s12+s3] =	stream.linear.scatter [tilespmem:s16], [sflag:$0x2], $0x4000, $0x38;
	[tilespmem:$0x1C800] =	vst v63  }
0xd2: {  	_ =	swait.ge [sflag:s30], $0x4000  }
0xd3: {  	[sflag:s30] =	ssyncset.done $0x0  }
0xd4: {  	[sflag:s30] =	ssyncadd.s32 $0xFFFFC000  }
0xd5: {  	_ =	swait.ge [sflag:s30], $0x4000  }
0xd6: {  	[sflag:s30] =	ssyncset.done $0x0  }
0xd7: {  	[sflag:s30] =	ssyncadd.s32 $0xFFFFC000  }
0xd8: {  	_ =	swait.ge [sflag:s30], $0x4000  }
0xd9: {  	[sflag:s30] =	ssyncset.done $0x0  }
0xda: {  	[sflag:s30] =	ssyncadd.s32 $0xFFFFC000  }
0xdb: {  	_ =	swait.ge [sflag:s30], $0x4000  }
0xdc: {  	[sflag:s30] =	ssyncset.done $0x0  }
0xdd: {  	[sflag:s30] =	ssyncadd.s32 $0xFFFFC000  }
0xde: {  	_ =	swait.ge [sflag:s30], $0x4000  }
0xdf: {  	[sflag:s30] =	ssyncset.done $0x0  }
0xe0: {  	[sflag:s30] =	ssyncadd.s32 $0xFFFFC000  }
0xe1: {  	p0 =	sne.s32 s5, $0x1;
	_ =	swait.ge [sflag:s30], $0x4000  }
.Ltmp0:
0xe2: {  	[sflag:s30] =	ssyncset.done $0x0;
	(pc) =	sbr.rel @p0 .LBB2_1-.Ltmp0, $4  }
0xe3: {  	[sflag:s30] =	ssyncadd.s32 $0xFFFFC000  }
0xe4: {  	_ =	swait.ge [sflag:s30], $0x4000  }
0xe5: {  	[sflag:s30] =	ssyncset.done $0x0  }
0xe6: {  	s5 =	sadd.s32 $0xFFFFFFFF, s5;
	[sflag:s30] =	ssyncadd.s32 $0xFFFFC000  }
0xe7: {  	_ =	sfence.sel $0x180000  }
0xe8: {  	[bflag:$0x0] =	sbarrier.arrive $0xFFFF  }
0xe9: {  	_ =	strace $0x90000047  }
0xea: {  	s0 =	stileid.u32;
	[bflag:$0x2] =	sbarrier.arrive $0xFFFF  }
0xeb: {  	p0 =	sne.s32 s0, $0x0;
	s0 =	rddreg [dreg:$0x3]  }
0xec: {  	s0 =	sadd.s32 @!p0 $0x100000, s0  }
0xed: {  	[sflag:s0] =	ssyncadd.tile.s32 @!p0 $0x1;
	_ =	shalt  }
.Lfunc_end2:
_tile_overlayer_lowered:
.L_overlay_start_2:
0xee: {  	(tag) =	ssettag $0x2  }
0xef: {  	s0 =	rddreg [dreg:$0x0];
	s2 =	stileid.u32  }
0xf0: {  	s1 =	rddreg [dreg:$0x1];
	p0 =	sne.s32 s2, $0x0  }
0xf1: {  	s3 =	rddreg [dreg:$0x2];
	[bflag:$0x3] =	sbarrier.arrive $0xFFFF;
	s2 =	simm.s32 @!p0 $0x1C03  }
0xf2: {  	[timem:s3], [sflag:s2] =	dma.local @!p0 [hbm:s0], s1  }
0xf3: {  	s0 =	simm.s32 @!p0 $0x3  }
0xf4: {  	_ =	swait.ge @!p0 [sflag:s0], s1  }
0xf5: {  	s1 =	ssub.s32 @!p0 $0x0, s1;
	[sflag:s0] =	ssyncset.done @!p0 $0x0  }
0xf6: {  	[sflag:s0] =	ssyncadd.s32 @!p0 s1  }
0xf7: {  	[bflag:$0x3] =	sbarrier.arrive $0xFFFF  }
0xf8: {  	_ =	shalt  }

</sc_bundles>
